<compile_context>
chip_gen: v7x
topology: tpu7x:2x2x1
jax: 0.10.2.dev20260603
libtpu: 0.0.44.dev20260713+nightly
codegen_flags: <defaults>
</compile_context>

<pallas_src>
import functools

import jax
import jax.numpy as jnp
import numpy as np
from jax import lax
from jax.experimental import pallas as pl
from jax.experimental.pallas import tpu as pltpu
from jax.experimental.pallas import tpu_sc as plsc

N_NODES = 10000
N_PAD = 10240
N_EDGES = 160000
C_IN = 256
C_OUT = 256
HALF = 128

NC = 2
NS = 16
NW = NC * NS

DEG_E = N_EDGES // NW
DEG_EP = 5008
TILE_E = N_EDGES // NS
TILE_EP = 10240
CHUNK = 128
NCHUNK = TILE_EP // CHUNK
ROWS_PER_TILE = N_PAD // NS


def _i32(v):
    return jnp.asarray(v, jnp.int32)


_IDX0 = np.int32(0)


def _deg_body(tar_ref, deg_out_ref, deg_local, tar_v):
    c = lax.axis_index("c")
    s = lax.axis_index("s")
    wid = c * _i32(NS) + s

    def zero(i, carry):
        deg_local[pl.ds(i * _i32(16), 16)] = jnp.zeros((16,), jnp.float32)
        return carry

    lax.fori_loop(_i32(0), _i32(N_PAD // 16), zero, _i32(0))

    pltpu.sync_copy(tar_ref.at[wid], tar_v)
    ones = jnp.ones((16,), jnp.float32)

    def accum(i, carry):
        idx = tar_v[pl.ds(i * _i32(16), 16)]
        plsc.addupdate_scatter(deg_local, [idx], ones)
        return carry

    lax.fori_loop(_i32(0), _i32(DEG_EP // 16), accum, _i32(0))
    pltpu.sync_copy(deg_local, deg_out_ref.at[wid])


_deg_call = pl.kernel(
    _deg_body,
    out_type=jax.ShapeDtypeStruct((NW, N_PAD), jnp.float32),
    mesh=plsc.VectorSubcoreMesh(core_axis_name="c", subcore_axis_name="s", num_cores=NC, num_subcores=NS),
    compiler_params=pltpu.CompilerParams(needs_layout_passes=False),
    scratch_types=[
        pltpu.VMEM((N_PAD,), jnp.float32),
        pltpu.VMEM((DEG_EP,), jnp.int32),
    ],
)


def _prep_body(x_ref, w_ref, b_ref, degp_ref, g2_ref):
    h = lax.dot_general(x_ref[...], w_ref[...],
                        (((1,), (1,)), ((), ())),
                        preferred_element_type=jnp.float32)
    h = h + b_ref[...]
    deg = jnp.sum(degp_ref[...], axis=0) + 1.0
    d = lax.rsqrt(deg)
    g = h * d[:, None]
    g2_ref[0] = g[:, :HALF]
    g2_ref[1] = g[:, HALF:]


def _prep_call(x_pad, w, b2, degp):
    blk = 512
    return pl.pallas_call(
        _prep_body,
        grid=(N_PAD // blk,),
        in_specs=[
            pl.BlockSpec((blk, C_IN), lambda i: (i, _IDX0)),
            pl.BlockSpec((C_OUT, C_IN), lambda i: (_IDX0, _IDX0)),
            pl.BlockSpec((1, C_OUT), lambda i: (_IDX0, _IDX0)),
            pl.BlockSpec((NW, blk), lambda i: (_IDX0, i)),
        ],
        out_specs=pl.BlockSpec((2, blk, HALF), lambda i: (_IDX0, i, _IDX0)),
        out_shape=jax.ShapeDtypeStruct((2, N_PAD, HALF), jnp.float32),
    )(x_pad, w, b2, degp)


def _edge_body(g2f_ref, src_ref, tar_ref, out_ref,
               acc, src_v, tar_v, buf, sem):
    c = lax.axis_index("c")
    s = lax.axis_index("s")
    wid = c * _i32(NS) + s

    pltpu.sync_copy(g2f_ref.at[pl.ds(c * _i32(N_PAD) + s * _i32(ROWS_PER_TILE),
                                     ROWS_PER_TILE)],
                    acc.at[pl.ds(s * _i32(ROWS_PER_TILE), ROWS_PER_TILE)])
    pltpu.sync_copy(src_ref.at[wid], src_v)
    pltpu.sync_copy(tar_ref.at[wid], tar_v)
    plsc.subcore_barrier()

    def step(j, carry):
        pltpu.async_copy(g2f_ref.at[src_v.at[j]], buf, sem).wait()
        pltpu.sync_copy(buf, acc.at[tar_v.at[j]], add=True)
        return carry

    lax.fori_loop(_i32(0), _i32(NCHUNK), step, _i32(0))
    plsc.subcore_barrier()

    pltpu.sync_copy(acc.at[pl.ds(s * _i32(ROWS_PER_TILE), ROWS_PER_TILE)],
                    out_ref.at[pl.ds(c * _i32(N_PAD) + s * _i32(ROWS_PER_TILE),
                                     ROWS_PER_TILE)])


_edge_call = pl.kernel(
    _edge_body,
    out_type=jax.ShapeDtypeStruct((2 * N_PAD, HALF), jnp.float32),
    mesh=plsc.VectorSubcoreMesh(core_axis_name="c", subcore_axis_name="s", num_cores=NC, num_subcores=NS),
    scratch_types=[
        pltpu.VMEM_SHARED((N_PAD, HALF), jnp.float32),
        pltpu.VMEM((NCHUNK, CHUNK), jnp.int32),
        pltpu.VMEM((NCHUNK, CHUNK), jnp.int32),
        pltpu.VMEM((CHUNK, HALF), jnp.float32),
        pltpu.SemaphoreType.DMA,
    ],
)


def _comb_body(acc2_ref, degt_ref, out_ref):
    deg = jnp.sum(degt_ref[...], axis=1) + 1.0
    d = lax.rsqrt(deg)[:, None]
    out_ref[:, :HALF] = acc2_ref[0] * d
    out_ref[:, HALF:] = acc2_ref[1] * d


def _comb_call(acc2, degt):
    blk = 400
    return pl.pallas_call(
        _comb_body,
        grid=(N_NODES // blk,),
        in_specs=[
            pl.BlockSpec((2, blk, HALF), lambda i: (_IDX0, i, _IDX0)),
            pl.BlockSpec((blk, NW), lambda i: (i, _IDX0)),
        ],
        out_specs=pl.BlockSpec((blk, C_OUT), lambda i: (i, _IDX0)),
        out_shape=jax.ShapeDtypeStruct((N_NODES, C_OUT), jnp.float32),
    )(acc2, degt)


def kernel(x, edge_index, W, b):
    src = edge_index[1].astype(jnp.int32)
    tar = edge_index[0].astype(jnp.int32)

    tar_pad = jnp.concatenate(
        [tar.reshape(NW, DEG_E),
         jnp.full((NW, DEG_EP - DEG_E), N_NODES, jnp.int32)], axis=1)
    degp = _deg_call(tar_pad)

    x_pad = jnp.pad(x, ((0, N_PAD - N_NODES), (0, 0)))
    g2 = _prep_call(x_pad, W, b.reshape(1, C_OUT), degp)

    g2f = g2.reshape(2 * N_PAD, HALF)
    src_p = jnp.pad(src.reshape(NS, TILE_E), ((0, 0), (0, TILE_EP - TILE_E)))
    src_p = src_p.reshape(NS, NCHUNK, CHUNK)
    src_sc = jnp.concatenate([src_p, src_p + N_PAD], axis=0)
    tar_p = jnp.pad(tar.reshape(NS, TILE_E), ((0, 0), (0, TILE_EP - TILE_E)),
                    constant_values=N_NODES)
    tar_p = tar_p.reshape(NS, NCHUNK, CHUNK)
    tar_sc = jnp.concatenate([tar_p, tar_p], axis=0)
    accf = _edge_call(g2f, src_sc, tar_sc)

    acc2 = accf.reshape(2, N_PAD, HALF)
    return _comb_call(acc2, degp.T)

# --- scband reference (transcript-rebuilt; emitter-appended) ---
"""Pipeline reference for scband-ref-gcnconv-52871047413951 (READ-ONLY COPY).

The authoritative reference and input builder live on the scoring server;
editing this copy changes nothing except your own understanding.
"""

import jax
jax.config.update("jax_enable_x64", True)
import jax.numpy as jnp
import numpy as np

N_NODES = 10000
N_EDGES = 160000
C_IN = 256
C_OUT = 256


def setup_inputs(seed: int = 0) -> dict:
    key = jax.random.key(seed)
    k1, k2, k3, k4 = jax.random.split(key, 4)
    x = jax.random.normal(k1, (N_NODES, C_IN), dtype=jnp.float32)
    edge_index = jax.random.randint(k2, (2, N_EDGES), 0, N_NODES, dtype=jnp.int64)
    # Linear layer parameters (torch.nn.Linear: y = x @ W.T + b)
    bound = 1.0 / np.sqrt(C_IN)
    W = jax.random.uniform(k3, (C_OUT, C_IN), dtype=jnp.float32, minval=-bound, maxval=bound)
    b = jax.random.uniform(k4, (C_OUT,), dtype=jnp.float32, minval=-bound, maxval=bound)
    return {"x": x, "edge_index": edge_index, "W": W, "b": b}


def reference(x, edge_index, W, b):
    # flow='target_to_source' -> tid=0, sid=1
    src_index = edge_index[1]
    tar_index = edge_index[0]
    num_nodes = x.shape[0]

    # dense layer
    h = x @ W.T + b

    # processing_edge: normalized edge weights
    edge_weight = jnp.ones((src_index.shape[0],), dtype=jnp.float32)
    # flow == 'target_to_source' -> degree computed over tar_index
    deg = jnp.zeros((num_nodes,), dtype=jnp.float32).at[tar_index].add(edge_weight) + 1.0
    deg_inv_sqrt = deg ** (-0.5)
    deg_inv_sqrt = jnp.where(jnp.isinf(deg_inv_sqrt), 0.0, deg_inv_sqrt)
    edge_weight = deg_inv_sqrt[src_index] * edge_weight * deg_inv_sqrt[tar_index]

    # propagate
    extended_fm = h[src_index] * edge_weight[:, None]
    out = jnp.zeros_like(h).at[tar_index].add(extended_fm)
    out = out + h * (deg ** (-1.0))[:, None]
    return out

if __name__ == "__main__":
    import jax
    _d = setup_inputs()
    print(jax.jit(kernel)(*tuple(_d.values())))

</pallas_src>

<mosaic_0001>
#map = affine_map<(d0, d1) -> (0, 0)>
module attributes {stable_mosaic.version = 14 : i64} {
  func.func @_deg_body(%arg0: i32, %arg1: i32, %arg2: memref<32x5008xi32, #tpu.memory_space<hbm>>, %arg3: memref<32x10240xf32, #tpu.memory_space<hbm>>, %arg4: memref<10240xf32, #tpu.memory_space<vmem>>, %arg5: memref<5008xi32, #tpu.memory_space<vmem>>) attributes {dimension_semantics = [#tpu.dimension_semantics<core_parallel>, #tpu.dimension_semantics<subcore_parallel>], iteration_bounds = array<i64: 2, 16>, scalar_prefetch = 0 : i64, scratch_operands = 2 : i64, tpu.core_type = #tpu.core_type<sc_vector_subcore>, window_params = [{transform_indices = #map}, {transform_indices = #map}]} {
    %mul3A = arith.constant 16 : i32
    %mul3A_0 = arith.muli %arg0, %mul3A : i32
    %add3A = arith.addi %mul3A_0, %arg1 : i32
    %while3A = arith.constant 0 : i32
    %while3A_1 = arith.constant 0 : i32
    %while3A_2 = arith.constant 640 : i32
    %while3A_3 = arith.subi %while3A_2, %while3A_1 : i32
    %while3A_4 = arith.addi %while3A_1, %while3A_3 : i32
    %while3A_5 = arith.constant 1 : i32
    %while3A_6 = arith.divsi %while3A_3, %while3A_5 : i32
    %while3A_7 = arith.muli %while3A_6, %while3A_5 : i32
    %while3A_8 = arith.addi %while3A_1, %while3A_7 : i32
    %while3A_9 = arith.constant 1 : i32
    scf.for %while3A_23 = %while3A_1 to %while3A_8 step %while3A_9  : i32 {
      %broadcast_in_dim3A_24 = arith.constant 0.000000e+00 : f32
      %broadcast_in_dim3A_25 = vector.broadcast %broadcast_in_dim3A_24 : f32 to vector<16xf32>
      %mul3A_26 = arith.constant 16 : i32
      %mul3A_27 = arith.muli %while3A_23, %mul3A_26 : i32
      %swap3A = arith.index_cast %mul3A_27 : i32 to index
      %swap3A_28 = tpu.vector_load %arg4[%swap3A] {strides = array<i32>} : memref<10240xf32, #tpu.memory_space<vmem>>, vector<16xf32>,
      tpu.vector_store %arg4[%swap3A], %broadcast_in_dim3A_25 {strides = array<i32>} : memref<10240xf32, #tpu.memory_space<vmem>>, vector<16xf32>,
    }
    %while3A_10 = arith.constant 1 : i32
    scf.for %while3A_23 = %while3A_8 to %while3A_4 step %while3A_10  : i32 {
      %broadcast_in_dim3A_24 = arith.constant 0.000000e+00 : f32
      %broadcast_in_dim3A_25 = vector.broadcast %broadcast_in_dim3A_24 : f32 to vector<16xf32>
      %mul3A_26 = arith.constant 16 : i32
      %mul3A_27 = arith.muli %while3A_23, %mul3A_26 : i32
      %swap3A = arith.index_cast %mul3A_27 : i32 to index
      %swap3A_28 = tpu.vector_load %arg4[%swap3A] {strides = array<i32>} : memref<10240xf32, #tpu.memory_space<vmem>>, vector<16xf32>,
      tpu.vector_store %arg4[%swap3A], %broadcast_in_dim3A_25 {strides = array<i32>} : memref<10240xf32, #tpu.memory_space<vmem>>, vector<16xf32>,
    }
    "tpu.region"() ({
      %run_scoped3A = tpu.sem_alloc : memref<!tpu.dma_semaphore, #tpu.memory_space<semaphore_mem>>
      %dma_start3A = arith.constant 0 : i32
      %dma_start3A_23 = tpu.memref_slice %arg2[%add3A, %dma_start3A] : memref<32x5008xi32, #tpu.memory_space<hbm>> -> memref<1x5008xi32, #tpu.memory_space<hbm>>
      %dma_start3A_24 = tpu.memref_squeeze %dma_start3A_23 : memref<1x5008xi32, #tpu.memory_space<hbm>> -> memref<5008xi32, #tpu.memory_space<hbm>>
      %dma_start3A_25 = arith.constant 0 : i32
      %dma_start3A_26 = tpu.memref_slice %arg2[%add3A, %dma_start3A_25] : memref<32x5008xi32, #tpu.memory_space<hbm>> -> memref<1x5008xi32, #tpu.memory_space<hbm>>
      %dma_start3A_27 = tpu.memref_squeeze %dma_start3A_26 : memref<1x5008xi32, #tpu.memory_space<hbm>> -> memref<5008xi32, #tpu.memory_space<hbm>>
      tpu.enqueue_dma source(%dma_start3A_27 : memref<5008xi32, #tpu.memory_space<hbm>>) target(%arg5 : memref<5008xi32, #tpu.memory_space<vmem>>) target_semaphore(%run_scoped3A : memref<!tpu.dma_semaphore, #tpu.memory_space<semaphore_mem>>)
      %dma_wait3A = arith.constant 0 : i32
      %dma_wait3A_28 = tpu.memref_slice %arg2[%add3A, %dma_wait3A] : memref<32x5008xi32, #tpu.memory_space<hbm>> -> memref<1x5008xi32, #tpu.memory_space<hbm>>
      %dma_wait3A_29 = tpu.memref_squeeze %dma_wait3A_28 : memref<1x5008xi32, #tpu.memory_space<hbm>> -> memref<5008xi32, #tpu.memory_space<hbm>>
      %dma_wait3A_30 = arith.constant 0 : i32
      %dma_wait3A_31 = tpu.memref_slice %arg2[%add3A, %dma_wait3A_30] : memref<32x5008xi32, #tpu.memory_space<hbm>> -> memref<1x5008xi32, #tpu.memory_space<hbm>>
      %dma_wait3A_32 = tpu.memref_squeeze %dma_wait3A_31 : memref<1x5008xi32, #tpu.memory_space<hbm>> -> memref<5008xi32, #tpu.memory_space<hbm>>
      tpu.wait_dma2 semaphore(%run_scoped3A : memref<!tpu.dma_semaphore, #tpu.memory_space<semaphore_mem>>) src(%dma_wait3A_32 : memref<5008xi32, #tpu.memory_space<hbm>>) dst(%arg5 : memref<5008xi32, #tpu.memory_space<vmem>>)
      tpu.yield
    }) : () -> ()
    %broadcast_in_dim3A = arith.constant 1.000000e+00 : f32
    %broadcast_in_dim3A_11 = vector.broadcast %broadcast_in_dim3A : f32 to vector<16xf32>
    %while3A_12 = arith.constant 0 : i32
    %while3A_13 = arith.constant 0 : i32
    %while3A_14 = arith.constant 313 : i32
    %while3A_15 = arith.subi %while3A_14, %while3A_13 : i32
    %while3A_16 = arith.addi %while3A_13, %while3A_15 : i32
    %while3A_17 = arith.constant 1 : i32
    %while3A_18 = arith.divsi %while3A_15, %while3A_17 : i32
    %while3A_19 = arith.muli %while3A_18, %while3A_17 : i32
    %while3A_20 = arith.addi %while3A_13, %while3A_19 : i32
    %while3A_21 = arith.constant 1 : i32
    scf.for %while3A_23 = %while3A_13 to %while3A_20 step %while3A_21  : i32 {
      %mul3A_24 = arith.constant 16 : i32
      %mul3A_25 = arith.muli %while3A_23, %mul3A_24 : i32
      %get3A = arith.index_cast %mul3A_25 : i32 to index
      %get3A_26 = tpu.vector_load %arg5[%get3A] {strides = array<i32>} : memref<5008xi32, #tpu.memory_space<vmem>>, vector<16xi32>,
      tpu.vector_store_idx %arg4[%get3A_26], %broadcast_in_dim3A_11 {add = true} : memref<10240xf32, #tpu.memory_space<vmem>>[vector<16xi32>], vector<16xf32>,
    }
    %while3A_22 = arith.constant 1 : i32
    scf.for %while3A_23 = %while3A_20 to %while3A_16 step %while3A_22  : i32 {
      %mul3A_24 = arith.constant 16 : i32
      %mul3A_25 = arith.muli %while3A_23, %mul3A_24 : i32
      %get3A = arith.index_cast %mul3A_25 : i32 to index
      %get3A_26 = tpu.vector_load %arg5[%get3A] {strides = array<i32>} : memref<5008xi32, #tpu.memory_space<vmem>>, vector<16xi32>,
      tpu.vector_store_idx %arg4[%get3A_26], %broadcast_in_dim3A_11 {add = true} : memref<10240xf32, #tpu.memory_space<vmem>>[vector<16xi32>], vector<16xf32>,
    }
    "tpu.region"() ({
      %run_scoped3A = tpu.sem_alloc : memref<!tpu.dma_semaphore, #tpu.memory_space<semaphore_mem>>
      %dma_start3A = arith.constant 0 : i32
      %dma_start3A_23 = tpu.memref_slice %arg3[%add3A, %dma_start3A] : memref<32x10240xf32, #tpu.memory_space<hbm>> -> memref<1x10240xf32, #tpu.memory_space<hbm>>
      %dma_start3A_24 = tpu.memref_squeeze %dma_start3A_23 : memref<1x10240xf32, #tpu.memory_space<hbm>> -> memref<10240xf32, #tpu.memory_space<hbm>>
      %dma_start3A_25 = arith.constant 0 : i32
      %dma_start3A_26 = tpu.memref_slice %arg3[%add3A, %dma_start3A_25] : memref<32x10240xf32, #tpu.memory_space<hbm>> -> memref<1x10240xf32, #tpu.memory_space<hbm>>
      %dma_start3A_27 = tpu.memref_squeeze %dma_start3A_26 : memref<1x10240xf32, #tpu.memory_space<hbm>> -> memref<10240xf32, #tpu.memory_space<hbm>>
      tpu.enqueue_dma source(%arg4 : memref<10240xf32, #tpu.memory_space<vmem>>) target(%dma_start3A_27 : memref<10240xf32, #tpu.memory_space<hbm>>) target_semaphore(%run_scoped3A : memref<!tpu.dma_semaphore, #tpu.memory_space<semaphore_mem>>)
      %dma_wait3A = arith.constant 0 : i32
      %dma_wait3A_28 = tpu.memref_slice %arg3[%add3A, %dma_wait3A] : memref<32x10240xf32, #tpu.memory_space<hbm>> -> memref<1x10240xf32, #tpu.memory_space<hbm>>
      %dma_wait3A_29 = tpu.memref_squeeze %dma_wait3A_28 : memref<1x10240xf32, #tpu.memory_space<hbm>> -> memref<10240xf32, #tpu.memory_space<hbm>>
      %dma_wait3A_30 = arith.constant 0 : i32
      %dma_wait3A_31 = tpu.memref_slice %arg3[%add3A, %dma_wait3A_30] : memref<32x10240xf32, #tpu.memory_space<hbm>> -> memref<1x10240xf32, #tpu.memory_space<hbm>>
      %dma_wait3A_32 = tpu.memref_squeeze %dma_wait3A_31 : memref<1x10240xf32, #tpu.memory_space<hbm>> -> memref<10240xf32, #tpu.memory_space<hbm>>
      tpu.wait_dma2 semaphore(%run_scoped3A : memref<!tpu.dma_semaphore, #tpu.memory_space<semaphore_mem>>) src(%arg4 : memref<10240xf32, #tpu.memory_space<vmem>>) dst(%dma_wait3A_32 : memref<10240xf32, #tpu.memory_space<hbm>>)
      tpu.yield
    }) : () -> ()
    return
  }
}

#map = affine_map<(d0, d1) -> (0, 0)>
#map1 = affine_map<(d0, d1) -> (0, 0, 0)>
module attributes {stable_mosaic.version = 14 : i64} {
  func.func @_edge_body(%arg0: i32, %arg1: i32, %arg2: memref<20480x128xf32, #tpu.memory_space<hbm>>, %arg3: memref<32x80x128xi32, #tpu.memory_space<hbm>>, %arg4: memref<32x80x128xi32, #tpu.memory_space<hbm>>, %arg5: memref<20480x128xf32, #tpu.memory_space<hbm>>, %arg6: memref<10240x128xf32, #tpu.memory_space<vmem_shared>>, %arg7: memref<80x128xi32, #tpu.memory_space<vmem>>, %arg8: memref<80x128xi32, #tpu.memory_space<vmem>>, %arg9: memref<128x128xf32, #tpu.memory_space<vmem>>, %arg10: memref<!tpu.dma_semaphore, #tpu.memory_space<semaphore_mem>>) attributes {dimension_semantics = [#tpu.dimension_semantics<core_parallel>, #tpu.dimension_semantics<subcore_parallel>], iteration_bounds = array<i64: 2, 16>, scalar_prefetch = 0 : i64, scratch_operands = 5 : i64, tpu.core_type = #tpu.core_type<sc_vector_subcore>, window_params = [{transform_indices = #map}, {transform_indices = #map1}, {transform_indices = #map1}, {transform_indices = #map}]} {
    %mul3A = arith.constant 16 : i32
    %mul3A_0 = arith.muli %arg0, %mul3A : i32
    %add3A = arith.addi %mul3A_0, %arg1 : i32
    %mul3A_1 = arith.constant 10240 : i32
    %mul3A_2 = arith.muli %arg0, %mul3A_1 : i32
    %mul3A_3 = arith.constant 640 : i32
    %mul3A_4 = arith.muli %arg1, %mul3A_3 : i32
    %add3A_5 = arith.addi %mul3A_2, %mul3A_4 : i32
    %mul3A_6 = arith.constant 640 : i32
    %mul3A_7 = arith.muli %arg1, %mul3A_6 : i32
    "tpu.region"() ({
      %run_scoped3A = tpu.sem_alloc : memref<!tpu.dma_semaphore, #tpu.memory_space<semaphore_mem>>
      %dma_start3A = arith.constant 0 : i32
      %dma_start3A_26 = tpu.memref_slice %arg6[%mul3A_7, %dma_start3A] : memref<10240x128xf32, #tpu.memory_space<vmem_shared>> -> memref<640x128xf32, #tpu.memory_space<vmem_shared>>
      %dma_start3A_27 = arith.constant 0 : i32
      %dma_start3A_28 = tpu.memref_slice %arg2[%add3A_5, %dma_start3A_27] : memref<20480x128xf32, #tpu.memory_space<hbm>> -> memref<640x128xf32, #tpu.memory_space<hbm>>
      tpu.enqueue_dma source(%dma_start3A_28 : memref<640x128xf32, #tpu.memory_space<hbm>>) target(%dma_start3A_26 : memref<640x128xf32, #tpu.memory_space<vmem_shared>>) target_semaphore(%run_scoped3A : memref<!tpu.dma_semaphore, #tpu.memory_space<semaphore_mem>>)
      %dma_wait3A = arith.constant 0 : i32
      %dma_wait3A_29 = tpu.memref_slice %arg6[%mul3A_7, %dma_wait3A] : memref<10240x128xf32, #tpu.memory_space<vmem_shared>> -> memref<640x128xf32, #tpu.memory_space<vmem_shared>>
      %dma_wait3A_30 = arith.constant 0 : i32
      %dma_wait3A_31 = tpu.memref_slice %arg2[%add3A_5, %dma_wait3A_30] : memref<20480x128xf32, #tpu.memory_space<hbm>> -> memref<640x128xf32, #tpu.memory_space<hbm>>
      tpu.wait_dma2 semaphore(%run_scoped3A : memref<!tpu.dma_semaphore, #tpu.memory_space<semaphore_mem>>) src(%dma_wait3A_31 : memref<640x128xf32, #tpu.memory_space<hbm>>) dst(%dma_wait3A_29 : memref<640x128xf32, #tpu.memory_space<vmem_shared>>)
      tpu.yield
    }) : () -> ()
    "tpu.region"() ({
      %run_scoped3A = tpu.sem_alloc : memref<!tpu.dma_semaphore, #tpu.memory_space<semaphore_mem>>
      %dma_start3A = arith.constant 0 : i32
      %dma_start3A_26 = arith.constant 0 : i32
      %dma_start3A_27 = tpu.memref_slice %arg3[%add3A, %dma_start3A, %dma_start3A_26] : memref<32x80x128xi32, #tpu.memory_space<hbm>> -> memref<1x80x128xi32, #tpu.memory_space<hbm>>
      %dma_start3A_28 = tpu.memref_squeeze %dma_start3A_27 : memref<1x80x128xi32, #tpu.memory_space<hbm>> -> memref<80x128xi32, #tpu.memory_space<hbm>>
      %dma_start3A_29 = arith.constant 0 : i32
      %dma_start3A_30 = arith.constant 0 : i32
      %dma_start3A_31 = tpu.memref_slice %arg3[%add3A, %dma_start3A_29, %dma_start3A_30] : memref<32x80x128xi32, #tpu.memory_space<hbm>> -> memref<1x80x128xi32, #tpu.memory_space<hbm>>
      %dma_start3A_32 = tpu.memref_squeeze %dma_start3A_31 : memref<1x80x128xi32, #tpu.memory_space<hbm>> -> memref<80x128xi32, #tpu.memory_space<hbm>>
      tpu.enqueue_dma source(%dma_start3A_32 : memref<80x128xi32, #tpu.memory_space<hbm>>) target(%arg7 : memref<80x128xi32, #tpu.memory_space<vmem>>) target_semaphore(%run_scoped3A : memref<!tpu.dma_semaphore, #tpu.memory_space<semaphore_mem>>)
      %dma_wait3A = arith.constant 0 : i32
      %dma_wait3A_33 = arith.constant 0 : i32
      %dma_wait3A_34 = tpu.memref_slice %arg3[%add3A, %dma_wait3A, %dma_wait3A_33] : memref<32x80x128xi32, #tpu.memory_space<hbm>> -> memref<1x80x128xi32, #tpu.memory_space<hbm>>
      %dma_wait3A_35 = tpu.memref_squeeze %dma_wait3A_34 : memref<1x80x128xi32, #tpu.memory_space<hbm>> -> memref<80x128xi32, #tpu.memory_space<hbm>>
      %dma_wait3A_36 = arith.constant 0 : i32
      %dma_wait3A_37 = arith.constant 0 : i32
      %dma_wait3A_38 = tpu.memref_slice %arg3[%add3A, %dma_wait3A_36, %dma_wait3A_37] : memref<32x80x128xi32, #tpu.memory_space<hbm>> -> memref<1x80x128xi32, #tpu.memory_space<hbm>>
      %dma_wait3A_39 = tpu.memref_squeeze %dma_wait3A_38 : memref<1x80x128xi32, #tpu.memory_space<hbm>> -> memref<80x128xi32, #tpu.memory_space<hbm>>
      tpu.wait_dma2 semaphore(%run_scoped3A : memref<!tpu.dma_semaphore, #tpu.memory_space<semaphore_mem>>) src(%dma_wait3A_39 : memref<80x128xi32, #tpu.memory_space<hbm>>) dst(%arg7 : memref<80x128xi32, #tpu.memory_space<vmem>>)
      tpu.yield
    }) : () -> ()
    "tpu.region"() ({
      %run_scoped3A = tpu.sem_alloc : memref<!tpu.dma_semaphore, #tpu.memory_space<semaphore_mem>>
      %dma_start3A = arith.constant 0 : i32
      %dma_start3A_26 = arith.constant 0 : i32
      %dma_start3A_27 = tpu.memref_slice %arg4[%add3A, %dma_start3A, %dma_start3A_26] : memref<32x80x128xi32, #tpu.memory_space<hbm>> -> memref<1x80x128xi32, #tpu.memory_space<hbm>>
      %dma_start3A_28 = tpu.memref_squeeze %dma_start3A_27 : memref<1x80x128xi32, #tpu.memory_space<hbm>> -> memref<80x128xi32, #tpu.memory_space<hbm>>
      %dma_start3A_29 = arith.constant 0 : i32
      %dma_start3A_30 = arith.constant 0 : i32
      %dma_start3A_31 = tpu.memref_slice %arg4[%add3A, %dma_start3A_29, %dma_start3A_30] : memref<32x80x128xi32, #tpu.memory_space<hbm>> -> memref<1x80x128xi32, #tpu.memory_space<hbm>>
      %dma_start3A_32 = tpu.memref_squeeze %dma_start3A_31 : memref<1x80x128xi32, #tpu.memory_space<hbm>> -> memref<80x128xi32, #tpu.memory_space<hbm>>
      tpu.enqueue_dma source(%dma_start3A_32 : memref<80x128xi32, #tpu.memory_space<hbm>>) target(%arg8 : memref<80x128xi32, #tpu.memory_space<vmem>>) target_semaphore(%run_scoped3A : memref<!tpu.dma_semaphore, #tpu.memory_space<semaphore_mem>>)
      %dma_wait3A = arith.constant 0 : i32
      %dma_wait3A_33 = arith.constant 0 : i32
      %dma_wait3A_34 = tpu.memref_slice %arg4[%add3A, %dma_wait3A, %dma_wait3A_33] : memref<32x80x128xi32, #tpu.memory_space<hbm>> -> memref<1x80x128xi32, #tpu.memory_space<hbm>>
      %dma_wait3A_35 = tpu.memref_squeeze %dma_wait3A_34 : memref<1x80x128xi32, #tpu.memory_space<hbm>> -> memref<80x128xi32, #tpu.memory_space<hbm>>
      %dma_wait3A_36 = arith.constant 0 : i32
      %dma_wait3A_37 = arith.constant 0 : i32
      %dma_wait3A_38 = tpu.memref_slice %arg4[%add3A, %dma_wait3A_36, %dma_wait3A_37] : memref<32x80x128xi32, #tpu.memory_space<hbm>> -> memref<1x80x128xi32, #tpu.memory_space<hbm>>
      %dma_wait3A_39 = tpu.memref_squeeze %dma_wait3A_38 : memref<1x80x128xi32, #tpu.memory_space<hbm>> -> memref<80x128xi32, #tpu.memory_space<hbm>>
      tpu.wait_dma2 semaphore(%run_scoped3A : memref<!tpu.dma_semaphore, #tpu.memory_space<semaphore_mem>>) src(%dma_wait3A_39 : memref<80x128xi32, #tpu.memory_space<hbm>>) dst(%arg8 : memref<80x128xi32, #tpu.memory_space<vmem>>)
      tpu.yield
    }) : () -> ()
    %barrier3A = arith.constant 0 : index
    tpu.barrier barrier_id(%barrier3A)
    %while3A = arith.constant 0 : i32
    %while3A_8 = arith.constant 0 : i32
    %while3A_9 = arith.constant 80 : i32
    %while3A_10 = arith.subi %while3A_9, %while3A_8 : i32
    %while3A_11 = arith.addi %while3A_8, %while3A_10 : i32
    %while3A_12 = arith.constant 1 : i32
    %while3A_13 = arith.divsi %while3A_10, %while3A_12 : i32
    %while3A_14 = arith.muli %while3A_13, %while3A_12 : i32
    %while3A_15 = arith.addi %while3A_8, %while3A_14 : i32
    %while3A_16 = arith.constant 1 : i32
    scf.for %while3A_26 = %while3A_8 to %while3A_15 step %while3A_16  : i32 {
      %dma_start3A = arith.constant 0 : i32
      %dma_start3A_27 = tpu.memref_slice %arg7[%while3A_26, %dma_start3A] : memref<80x128xi32, #tpu.memory_space<vmem>> -> memref<1x128xi32, #tpu.memory_space<vmem>>
      %dma_start3A_28 = tpu.memref_squeeze %dma_start3A_27 : memref<1x128xi32, #tpu.memory_space<vmem>> -> memref<128xi32, #tpu.memory_space<vmem>>
      %dma_start3A_29 = arith.constant 0 : i32
      %dma_start3A_30 = arith.constant 0 : i32
      %dma_start3A_31 = tpu.memref_slice %arg2[%dma_start3A_29, %dma_start3A_30] : memref<20480x128xf32, #tpu.memory_space<hbm>> -> memref<20480x128xf32, #tpu.memory_space<hbm>>
      tpu.enqueue_indirect_dma source(%dma_start3A_31 : memref<20480x128xf32, #tpu.memory_space<hbm>>) target(%arg9 : memref<128x128xf32, #tpu.memory_space<vmem>>) offsets(%dma_start3A_28 : memref<128xi32, #tpu.memory_space<vmem>>) semaphore(%arg10 : memref<!tpu.dma_semaphore, #tpu.memory_space<semaphore_mem>>)
      %dma_wait3A = arith.constant 0 : i32
      %dma_wait3A_32 = tpu.memref_slice %arg7[%while3A_26, %dma_wait3A] : memref<80x128xi32, #tpu.memory_space<vmem>> -> memref<1x128xi32, #tpu.memory_space<vmem>>
      %dma_wait3A_33 = tpu.memref_squeeze %dma_wait3A_32 : memref<1x128xi32, #tpu.memory_space<vmem>> -> memref<128xi32, #tpu.memory_space<vmem>>
      %dma_wait3A_34 = arith.constant 0 : i32
      %dma_wait3A_35 = arith.constant 0 : i32
      %dma_wait3A_36 = tpu.memref_slice %arg2[%dma_wait3A_34, %dma_wait3A_35] : memref<20480x128xf32, #tpu.memory_space<hbm>> -> memref<20480x128xf32, #tpu.memory_space<hbm>>
      tpu.wait_indirect_dma semaphore(%arg10 : memref<!tpu.dma_semaphore, #tpu.memory_space<semaphore_mem>>) src(%dma_wait3A_36 : memref<20480x128xf32, #tpu.memory_space<hbm>>) dst(%arg9 : memref<128x128xf32, #tpu.memory_space<vmem>>)
      "tpu.region"() ({
        %run_scoped3A = tpu.sem_alloc : memref<!tpu.dma_semaphore, #tpu.memory_space<semaphore_mem>>
        %dma_start3A_37 = arith.constant 0 : i32
        %dma_start3A_38 = tpu.memref_slice %arg8[%while3A_26, %dma_start3A_37] : memref<80x128xi32, #tpu.memory_space<vmem>> -> memref<1x128xi32, #tpu.memory_space<vmem>>
        %dma_start3A_39 = tpu.memref_squeeze %dma_start3A_38 : memref<1x128xi32, #tpu.memory_space<vmem>> -> memref<128xi32, #tpu.memory_space<vmem>>
        %dma_start3A_40 = arith.constant 0 : i32
        %dma_start3A_41 = arith.constant 0 : i32
        %dma_start3A_42 = tpu.memref_slice %arg6[%dma_start3A_40, %dma_start3A_41] : memref<10240x128xf32, #tpu.memory_space<vmem_shared>> -> memref<10240x128xf32, #tpu.memory_space<vmem_shared>>
        tpu.enqueue_indirect_dma source(%arg9 : memref<128x128xf32, #tpu.memory_space<vmem>>) target(%dma_start3A_42 : memref<10240x128xf32, #tpu.memory_space<vmem_shared>>) offsets(%dma_start3A_39 : memref<128xi32, #tpu.memory_space<vmem>>) semaphore(%run_scoped3A : memref<!tpu.dma_semaphore, #tpu.memory_space<semaphore_mem>>) {add = true}
        %dma_wait3A_43 = arith.constant 0 : i32
        %dma_wait3A_44 = tpu.memref_slice %arg8[%while3A_26, %dma_wait3A_43] : memref<80x128xi32, #tpu.memory_space<vmem>> -> memref<1x128xi32, #tpu.memory_space<vmem>>
        %dma_wait3A_45 = tpu.memref_squeeze %dma_wait3A_44 : memref<1x128xi32, #tpu.memory_space<vmem>> -> memref<128xi32, #tpu.memory_space<vmem>>
        %dma_wait3A_46 = arith.constant 0 : i32
        %dma_wait3A_47 = arith.constant 0 : i32
        %dma_wait3A_48 = tpu.memref_slice %arg6[%dma_wait3A_46, %dma_wait3A_47] : memref<10240x128xf32, #tpu.memory_space<vmem_shared>> -> memref<10240x128xf32, #tpu.memory_space<vmem_shared>>
        tpu.wait_indirect_dma semaphore(%run_scoped3A : memref<!tpu.dma_semaphore, #tpu.memory_space<semaphore_mem>>) src(%arg9 : memref<128x128xf32, #tpu.memory_space<vmem>>) dst(%dma_wait3A_48 : memref<10240x128xf32, #tpu.memory_space<vmem_shared>>)
        tpu.yield
      }) : () -> ()
    }
    %while3A_17 = arith.constant 1 : i32
    scf.for %while3A_26 = %while3A_15 to %while3A_11 step %while3A_17  : i32 {
      %dma_start3A = arith.constant 0 : i32
      %dma_start3A_27 = tpu.memref_slice %arg7[%while3A_26, %dma_start3A] : memref<80x128xi32, #tpu.memory_space<vmem>> -> memref<1x128xi32, #tpu.memory_space<vmem>>
      %dma_start3A_28 = tpu.memref_squeeze %dma_start3A_27 : memref<1x128xi32, #tpu.memory_space<vmem>> -> memref<128xi32, #tpu.memory_space<vmem>>
      %dma_start3A_29 = arith.constant 0 : i32
      %dma_start3A_30 = arith.constant 0 : i32
      %dma_start3A_31 = tpu.memref_slice %arg2[%dma_start3A_29, %dma_start3A_30] : memref<20480x128xf32, #tpu.memory_space<hbm>> -> memref<20480x128xf32, #tpu.memory_space<hbm>>
      tpu.enqueue_indirect_dma source(%dma_start3A_31 : memref<20480x128xf32, #tpu.memory_space<hbm>>) target(%arg9 : memref<128x128xf32, #tpu.memory_space<vmem>>) offsets(%dma_start3A_28 : memref<128xi32, #tpu.memory_space<vmem>>) semaphore(%arg10 : memref<!tpu.dma_semaphore, #tpu.memory_space<semaphore_mem>>)
      %dma_wait3A = arith.constant 0 : i32
      %dma_wait3A_32 = tpu.memref_slice %arg7[%while3A_26, %dma_wait3A] : memref<80x128xi32, #tpu.memory_space<vmem>> -> memref<1x128xi32, #tpu.memory_space<vmem>>
      %dma_wait3A_33 = tpu.memref_squeeze %dma_wait3A_32 : memref<1x128xi32, #tpu.memory_space<vmem>> -> memref<128xi32, #tpu.memory_space<vmem>>
      %dma_wait3A_34 = arith.constant 0 : i32
      %dma_wait3A_35 = arith.constant 0 : i32
      %dma_wait3A_36 = tpu.memref_slice %arg2[%dma_wait3A_34, %dma_wait3A_35] : memref<20480x128xf32, #tpu.memory_space<hbm>> -> memref<20480x128xf32, #tpu.memory_space<hbm>>
      tpu.wait_indirect_dma semaphore(%arg10 : memref<!tpu.dma_semaphore, #tpu.memory_space<semaphore_mem>>) src(%dma_wait3A_36 : memref<20480x128xf32, #tpu.memory_space<hbm>>) dst(%arg9 : memref<128x128xf32, #tpu.memory_space<vmem>>)
      "tpu.region"() ({
        %run_scoped3A = tpu.sem_alloc : memref<!tpu.dma_semaphore, #tpu.memory_space<semaphore_mem>>
        %dma_start3A_37 = arith.constant 0 : i32
        %dma_start3A_38 = tpu.memref_slice %arg8[%while3A_26, %dma_start3A_37] : memref<80x128xi32, #tpu.memory_space<vmem>> -> memref<1x128xi32, #tpu.memory_space<vmem>>
        %dma_start3A_39 = tpu.memref_squeeze %dma_start3A_38 : memref<1x128xi32, #tpu.memory_space<vmem>> -> memref<128xi32, #tpu.memory_space<vmem>>
        %dma_start3A_40 = arith.constant 0 : i32
        %dma_start3A_41 = arith.constant 0 : i32
        %dma_start3A_42 = tpu.memref_slice %arg6[%dma_start3A_40, %dma_start3A_41] : memref<10240x128xf32, #tpu.memory_space<vmem_shared>> -> memref<10240x128xf32, #tpu.memory_space<vmem_shared>>
        tpu.enqueue_indirect_dma source(%arg9 : memref<128x128xf32, #tpu.memory_space<vmem>>) target(%dma_start3A_42 : memref<10240x128xf32, #tpu.memory_space<vmem_shared>>) offsets(%dma_start3A_39 : memref<128xi32, #tpu.memory_space<vmem>>) semaphore(%run_scoped3A : memref<!tpu.dma_semaphore, #tpu.memory_space<semaphore_mem>>) {add = true}
        %dma_wait3A_43 = arith.constant 0 : i32
        %dma_wait3A_44 = tpu.memref_slice %arg8[%while3A_26, %dma_wait3A_43] : memref<80x128xi32, #tpu.memory_space<vmem>> -> memref<1x128xi32, #tpu.memory_space<vmem>>
        %dma_wait3A_45 = tpu.memref_squeeze %dma_wait3A_44 : memref<1x128xi32, #tpu.memory_space<vmem>> -> memref<128xi32, #tpu.memory_space<vmem>>
        %dma_wait3A_46 = arith.constant 0 : i32
        %dma_wait3A_47 = arith.constant 0 : i32
        %dma_wait3A_48 = tpu.memref_slice %arg6[%dma_wait3A_46, %dma_wait3A_47] : memref<10240x128xf32, #tpu.memory_space<vmem_shared>> -> memref<10240x128xf32, #tpu.memory_space<vmem_shared>>
        tpu.wait_indirect_dma semaphore(%run_scoped3A : memref<!tpu.dma_semaphore, #tpu.memory_space<semaphore_mem>>) src(%arg9 : memref<128x128xf32, #tpu.memory_space<vmem>>) dst(%dma_wait3A_48 : memref<10240x128xf32, #tpu.memory_space<vmem_shared>>)
        tpu.yield
      }) : () -> ()
    }
    %barrier3A_18 = arith.constant 0 : index
    tpu.barrier barrier_id(%barrier3A_18)
    %mul3A_19 = arith.constant 640 : i32
    %mul3A_20 = arith.muli %arg1, %mul3A_19 : i32
    %mul3A_21 = arith.constant 10240 : i32
    %mul3A_22 = arith.muli %arg0, %mul3A_21 : i32
    %mul3A_23 = arith.constant 640 : i32
    %mul3A_24 = arith.muli %arg1, %mul3A_23 : i32
    %add3A_25 = arith.addi %mul3A_22, %mul3A_24 : i32
    "tpu.region"() ({
      %run_scoped3A = tpu.sem_alloc : memref<!tpu.dma_semaphore, #tpu.memory_space<semaphore_mem>>
      %dma_start3A = arith.constant 0 : i32
      %dma_start3A_26 = tpu.memref_slice %arg5[%add3A_25, %dma_start3A] : memref<20480x128xf32, #tpu.memory_space<hbm>> -> memref<640x128xf32, #tpu.memory_space<hbm>>
      %dma_start3A_27 = arith.constant 0 : i32
      %dma_start3A_28 = tpu.memref_slice %arg6[%mul3A_20, %dma_start3A_27] : memref<10240x128xf32, #tpu.memory_space<vmem_shared>> -> memref<640x128xf32, #tpu.memory_space<vmem_shared>>
      tpu.enqueue_dma source(%dma_start3A_28 : memref<640x128xf32, #tpu.memory_space<vmem_shared>>) target(%dma_start3A_26 : memref<640x128xf32, #tpu.memory_space<hbm>>) target_semaphore(%run_scoped3A : memref<!tpu.dma_semaphore, #tpu.memory_space<semaphore_mem>>)
      %dma_wait3A = arith.constant 0 : i32
      %dma_wait3A_29 = tpu.memref_slice %arg5[%add3A_25, %dma_wait3A] : memref<20480x128xf32, #tpu.memory_space<hbm>> -> memref<640x128xf32, #tpu.memory_space<hbm>>
      %dma_wait3A_30 = arith.constant 0 : i32
      %dma_wait3A_31 = tpu.memref_slice %arg6[%mul3A_20, %dma_wait3A_30] : memref<10240x128xf32, #tpu.memory_space<vmem_shared>> -> memref<640x128xf32, #tpu.memory_space<vmem_shared>>
      tpu.wait_dma2 semaphore(%run_scoped3A : memref<!tpu.dma_semaphore, #tpu.memory_space<semaphore_mem>>) src(%dma_wait3A_31 : memref<640x128xf32, #tpu.memory_space<vmem_shared>>) dst(%dma_wait3A_29 : memref<640x128xf32, #tpu.memory_space<hbm>>)
      tpu.yield
    }) : () -> ()
    return
  }
}

module attributes {stable_mosaic.version = 14 : i64} {
  func.func @_prep_body(%arg0: i32, %arg1: memref<512x256xf32, #tpu.memory_space<vmem>>, %arg2: memref<256x256xf32, #tpu.memory_space<vmem>>, %arg3: memref<1x256xf32, #tpu.memory_space<vmem>>, %arg4: memref<32x512xf32, #tpu.memory_space<vmem>>, %arg5: memref<2x512x128xf32, #tpu.memory_space<vmem>>) attributes {dimension_semantics = [#tpu.dimension_semantics<arbitrary>], iteration_bounds = array<i64: 20>, scalar_prefetch = 0 : i64, scratch_operands = 0 : i64, tpu.core_type = #tpu.core_type<tc>, window_params = [{transform_indices = @transform_0, window_bounds = array<i64: 512, 256>}, {pipeline_mode = #tpu.pipeline_mode<synchronous>, transform_indices = @transform_1, window_bounds = array<i64: 256, 256>}, {pipeline_mode = #tpu.pipeline_mode<synchronous>, transform_indices = @transform_2, window_bounds = array<i64: 1, 256>}, {transform_indices = @transform_3, window_bounds = array<i64: 32, 512>}, {transform_indices = @transform_4, window_bounds = array<i64: 2, 512, 128>}]} {
    %get3A = arith.constant 0 : index
    %get3A_0 = arith.constant 0 : index
    %get3A_1 = vector.load %arg1[%get3A, %get3A_0] : memref<512x256xf32, #tpu.memory_space<vmem>>, vector<512x256xf32>
    %get3A_2 = arith.constant 0 : index
    %get3A_3 = arith.constant 0 : index
    %get3A_4 = vector.load %arg2[%get3A_2, %get3A_3] : memref<256x256xf32, #tpu.memory_space<vmem>>, vector<256x256xf32>
    %dot_general3A = arith.constant dense<0.000000e+00> : vector<512x256xf32>
    %dot_general3A_5 = tpu.matmul %get3A_1, %get3A_4, %dot_general3A {dimension_numbers = #tpu.dot_dimension_numbers<[1], [1], [0], [0], [0, 0, 1, 0], [], []>, transpose_lhs_hint = false} : vector<512x256xf32>, vector<256x256xf32>, vector<512x256xf32> -> vector<512x256xf32>
    %get3A_6 = arith.constant 0 : index
    %get3A_7 = arith.constant 0 : index
    %get3A_8 = vector.load %arg3[%get3A_6, %get3A_7] : memref<1x256xf32, #tpu.memory_space<vmem>>, vector<1x256xf32>
    %add3A = vector.broadcast %get3A_8 : vector<1x256xf32> to vector<512x256xf32>
    %add3A_9 = arith.addf %dot_general3A_5, %add3A : vector<512x256xf32>
    %get3A_10 = arith.constant 0 : index
    %get3A_11 = arith.constant 0 : index
    %get3A_12 = vector.load %arg4[%get3A_10, %get3A_11] : memref<32x512xf32, #tpu.memory_space<vmem>>, vector<32x512xf32>
    %reduce_sum3A = arith.constant dense<0.000000e+00> : vector<512xf32>
    %reduce_sum3A_13 = vector.multi_reduction <add>, %get3A_12, %reduce_sum3A [0] : vector<32x512xf32> to vector<512xf32>
    %add3A_14 = arith.constant 1.000000e+00 : f32
    %add3A_15 = vector.broadcast %add3A_14 : f32 to vector<512xf32>
    %add3A_16 = arith.addf %reduce_sum3A_13, %add3A_15 : vector<512xf32>
    %rsqrt3A = math.rsqrt %add3A_16 : vector<512xf32>
    %broadcast_in_dim3A = vector.shape_cast %rsqrt3A : vector<512xf32> to vector<512x1xf32>
    %mul3A = vector.broadcast %broadcast_in_dim3A : vector<512x1xf32> to vector<512x256xf32>
    %mul3A_17 = arith.mulf %add3A_9, %mul3A : vector<512x256xf32>
    %slice3A = vector.extract_strided_slice %mul3A_17 {offsets = [0, 0], sizes = [512, 128], strides = [1, 1]} : vector<512x256xf32> to vector<512x128xf32>
    %swap3A = arith.constant 0 : index
    %swap3A_18 = arith.constant 0 : index
    %swap3A_19 = arith.constant 0 : index
    %swap3A_20 = vector.load %arg5[%swap3A, %swap3A_18, %swap3A_19] : memref<2x512x128xf32, #tpu.memory_space<vmem>>, vector<1x512x128xf32>
    %swap3A_21 = vector.shape_cast %swap3A_20 : vector<1x512x128xf32> to vector<512x128xf32>
    %swap3A_22 = vector.shape_cast %slice3A : vector<512x128xf32> to vector<1x512x128xf32>
    tpu.vector_store %arg5[%swap3A, %swap3A_18, %swap3A_19], %swap3A_22 {strides = array<i32>} : memref<2x512x128xf32, #tpu.memory_space<vmem>>, vector<1x512x128xf32>,
    %slice3A_23 = vector.extract_strided_slice %mul3A_17 {offsets = [0, 128], sizes = [512, 128], strides = [1, 1]} : vector<512x256xf32> to vector<512x128xf32>
    %swap3A_24 = arith.constant 1 : index
    %swap3A_25 = arith.constant 0 : index
    %swap3A_26 = arith.constant 0 : index
    %swap3A_27 = vector.load %arg5[%swap3A_24, %swap3A_25, %swap3A_26] : memref<2x512x128xf32, #tpu.memory_space<vmem>>, vector<1x512x128xf32>
    %swap3A_28 = vector.shape_cast %swap3A_27 : vector<1x512x128xf32> to vector<512x128xf32>
    %swap3A_29 = vector.shape_cast %slice3A_23 : vector<512x128xf32> to vector<1x512x128xf32>
    tpu.vector_store %arg5[%swap3A_24, %swap3A_25, %swap3A_26], %swap3A_29 {strides = array<i32>} : memref<2x512x128xf32, #tpu.memory_space<vmem>>, vector<1x512x128xf32>,
    return
  }
  func.func @transform_0(%arg0: i32) -> (i32, i32) {
    %c0_i32 = arith.constant 0 : i32
    %c0_i32_0 = arith.constant 0 : i32
    return %arg0, %c0_i32 : i32, i32
  }
  func.func @transform_1(%arg0: i32) -> (i32, i32) {
    %c0_i32 = arith.constant 0 : i32
    %c0_i32_0 = arith.constant 0 : i32
    %c0_i32_1 = arith.constant 0 : i32
    return %c0_i32, %c0_i32_0 : i32, i32
  }
  func.func @transform_2(%arg0: i32) -> (i32, i32) {
    %c0_i32 = arith.constant 0 : i32
    %c0_i32_0 = arith.constant 0 : i32
    %c0_i32_1 = arith.constant 0 : i32
    return %c0_i32, %c0_i32_0 : i32, i32
  }
  func.func @transform_3(%arg0: i32) -> (i32, i32) {
    %c0_i32 = arith.constant 0 : i32
    %c0_i32_0 = arith.constant 0 : i32
    return %c0_i32, %arg0 : i32, i32
  }
  func.func @transform_4(%arg0: i32) -> (i32, i32, i32) {
    %c0_i32 = arith.constant 0 : i32
    %c0_i32_0 = arith.constant 0 : i32
    %c0_i32_1 = arith.constant 0 : i32
    return %c0_i32, %arg0, %c0_i32_0 : i32, i32, i32
  }
}

module attributes {stable_mosaic.version = 14 : i64} {
  func.func @_comb_body(%arg0: i32, %arg1: memref<2x400x128xf32, #tpu.memory_space<vmem>>, %arg2: memref<400x32xf32, #tpu.memory_space<vmem>>, %arg3: memref<400x256xf32, #tpu.memory_space<vmem>>) attributes {dimension_semantics = [#tpu.dimension_semantics<arbitrary>], iteration_bounds = array<i64: 25>, scalar_prefetch = 0 : i64, scratch_operands = 0 : i64, tpu.core_type = #tpu.core_type<tc>, window_params = [{transform_indices = @transform_0, window_bounds = array<i64: 2, 400, 128>}, {transform_indices = @transform_1, window_bounds = array<i64: 400, 32>}, {transform_indices = @transform_2, window_bounds = array<i64: 400, 256>}]} {
    %get3A = arith.constant 0 : index
    %get3A_0 = arith.constant 0 : index
    %get3A_1 = vector.load %arg2[%get3A, %get3A_0] : memref<400x32xf32, #tpu.memory_space<vmem>>, vector<400x32xf32>
    %reduce_sum3A = arith.constant dense<0.000000e+00> : vector<400xf32>
    %reduce_sum3A_2 = vector.multi_reduction <add>, %get3A_1, %reduce_sum3A [1] : vector<400x32xf32> to vector<400xf32>
    %add3A = arith.constant 1.000000e+00 : f32
    %add3A_3 = vector.broadcast %add3A : f32 to vector<400xf32>
    %add3A_4 = arith.addf %reduce_sum3A_2, %add3A_3 : vector<400xf32>
    %rsqrt3A = math.rsqrt %add3A_4 : vector<400xf32>
    %broadcast_in_dim3A = vector.shape_cast %rsqrt3A : vector<400xf32> to vector<400x1xf32>
    %get3A_5 = arith.constant 0 : index
    %get3A_6 = arith.constant 0 : index
    %get3A_7 = arith.constant 0 : index
    %get3A_8 = vector.load %arg1[%get3A_5, %get3A_6, %get3A_7] : memref<2x400x128xf32, #tpu.memory_space<vmem>>, vector<1x400x128xf32>
    %get3A_9 = vector.shape_cast %get3A_8 : vector<1x400x128xf32> to vector<400x128xf32>
    %mul3A = vector.broadcast %broadcast_in_dim3A : vector<400x1xf32> to vector<400x128xf32>
    %mul3A_10 = arith.mulf %get3A_9, %mul3A : vector<400x128xf32>
    %swap3A = arith.constant 0 : index
    %swap3A_11 = arith.constant 0 : index
    %swap3A_12 = vector.load %arg3[%swap3A, %swap3A_11] : memref<400x256xf32, #tpu.memory_space<vmem>>, vector<400x128xf32>
    tpu.vector_store %arg3[%swap3A, %swap3A_11], %mul3A_10 {strides = array<i32>} : memref<400x256xf32, #tpu.memory_space<vmem>>, vector<400x128xf32>,
    %get3A_13 = arith.constant 1 : index
    %get3A_14 = arith.constant 0 : index
    %get3A_15 = arith.constant 0 : index
    %get3A_16 = vector.load %arg1[%get3A_13, %get3A_14, %get3A_15] : memref<2x400x128xf32, #tpu.memory_space<vmem>>, vector<1x400x128xf32>
    %get3A_17 = vector.shape_cast %get3A_16 : vector<1x400x128xf32> to vector<400x128xf32>
    %mul3A_18 = vector.broadcast %broadcast_in_dim3A : vector<400x1xf32> to vector<400x128xf32>
    %mul3A_19 = arith.mulf %get3A_17, %mul3A_18 : vector<400x128xf32>
    %swap3A_20 = arith.constant 0 : index
    %swap3A_21 = arith.constant 128 : index
    %swap3A_22 = vector.load %arg3[%swap3A_20, %swap3A_21] : memref<400x256xf32, #tpu.memory_space<vmem>>, vector<400x128xf32>
    tpu.vector_store %arg3[%swap3A_20, %swap3A_21], %mul3A_19 {strides = array<i32>} : memref<400x256xf32, #tpu.memory_space<vmem>>, vector<400x128xf32>,
    return
  }
  func.func @transform_0(%arg0: i32) -> (i32, i32, i32) {
    %c0_i32 = arith.constant 0 : i32
    %c0_i32_0 = arith.constant 0 : i32
    %c0_i32_1 = arith.constant 0 : i32
    return %c0_i32, %arg0, %c0_i32_0 : i32, i32, i32
  }
  func.func @transform_1(%arg0: i32) -> (i32, i32) {
    %c0_i32 = arith.constant 0 : i32
    %c0_i32_0 = arith.constant 0 : i32
    return %arg0, %c0_i32 : i32, i32
  }
  func.func @transform_2(%arg0: i32) -> (i32, i32) {
    %c0_i32 = arith.constant 0 : i32
    %c0_i32_0 = arith.constant 0 : i32
    return %arg0, %c0_i32 : i32, i32
  }
}

</mosaic_0001>

<sc_bundles>
// kernel: kernel.6.cloned.1.call-start
scs
__scs_entry_jumppad:
0x0: {  	(pc) =	sbr.rel $0x88, $3  }
0x1: {  	(tag) =	ssettag $0x0;
	lr =	simm.s32 $0x1  }
0x2: {  	[smem:$0x3F9D] =	sst lr;
	_ =	strace $0xD0000000  }
0x3: {  	_ = 	snop  }
0x4: {  	_ = 	snop  }
0x5: {  	_ = 	snop  }
0x6: {  	_ = 	snop  }
0x7: {  	_ = 	snop  }
__scs_overlays_trampoline_lowered:
0x8: {  	[smem:$0x3FAC] =	sst s0  }
0x9: {  	[smem:$0x3FAD] =	sst s1  }
0xa: {  	[smem:$0x3FAE] =	sst s2  }
0xb: {  	[smem:$0x3FAF] =	sst s3  }
0xc: {  	[smem:$0x3FB0] =	sst s4  }
0xd: {  	[smem:$0x3FB1] =	sst s5  }
0xe: {  	[smem:$0x3FB2] =	sst s6  }
0xf: {  	[smem:$0x3FB3] =	sst s7  }
0x10: {  	[smem:$0x3FB4] =	sst s8  }
0x11: {  	[smem:$0x3FB5] =	sst s9;
	s0 =	simm.s32 @!p0 $0x0  }
0x12: {  	s1 =	sld [smem:$0x3F9B];
	s0 =	simm.s32 @p0 $0x1  }
0x13: {  	[smem:$0x3FB6] =	sst s0;
	s0 =	simm.s32 @!p1 $0x0  }
0x14: {  	s2 =	sld [smem:$0x3F9A];
	s0 =	simm.s32 @p1 $0x1  }
0x15: {  	[smem:$0x3FB7] =	sst s0;
	s0 =	simm.s32 @!p2 $0x0  }
0x16: {  	s3 =	sld [smem:$0x3FDB];
	s0 =	simm.s32 @p2 $0x1  }
0x17: {  	s4 =	simm.s32 $0x1BF5;
	[smem:$0x3FB9] =	sst s0  }
0x18: {  	s0 =	sld [smem:$0x3F9C];
	_ =	swait.ge [sflag:s4], $0x0  }
0x19: {  	s7 =	sld [smem:$0x3F9D]  }
0x1a: {  	s8 =	sadd.s32 $0xFFFFE003, lr  }
0x1b: {  	s9 =	sadd.s32 $0xFFFFFEF7, lr;
	s5 =	simm.s32 $0xFFFFFFFF;
	p2 =	slt.u32 s8, $0xFFFFF086  }
0x1c: {  	p1 =	slt.u32 s9, $0xF7A;
	s5 =	simm.s32 @!p2 $0x0  }
0x1d: {  	s5 =	simm.s32 @p1 $0x1;
	p0 =	seq.s32 s7, s2  }
0x1e: {  	s7 =	smul.u32 @!p0 $0xF7A, s2;
	p2 =	seq.s32 @!p0 s5, $0x0  }
0x1f: {  	s9 =	smul.u32 $0xF7A, s1;
	s8 =	simm.s32 @!p0 $0x1BF5;
	p2 =	por !p2, p0  }
0x20: {  	[sflag:s8] =	ssyncset.s32 @!p0 $0xFFFFF086;
	s6 =	sadd.s32 @!p0 s3, s7;
	s7 =	simm.s32 @!p0 $0x108  }
0x21: {  	s3 =	sadd.s32 s3, s9;
	s6 =	sadd.s32 @!p0 $0x88, s6;
	s7 =	simm.s32 @p2 $0x1082  }
0x22: {  	[simem:s7], [sflag:s8] =	dma.local @!p0 [hbm:s6], $0xF7A  }
0x23: {  	s9 =	sor.u32 $0xD0000000, s2;
	s6 =	simm.s32 $0x108;
	_ =	swait.ge @!p0 [sflag:s8], $0x0  }
0x24: {  	s3 =	sadd.s32 $0x88, s3;
	s6 =	simm.s32 @!p1 $0x1082;
	[sflag:s4] =	ssyncset.s32 $0xFFFFF086  }
0x25: {  	[simem:s6], [sflag:s4] =	dma.local [hbm:s3], $0xF7A  }
0x26: {  	[smem:$0x3F9D] =	sst s1;
	(tag) =	ssettag s2;
	_ =	strace s9  }
0x27: {  	s1 =	sld [smem:$0x3FAD]  }
0x28: {  	s2 =	sld [smem:$0x3FAE]  }
0x29: {  	s4 =	sld [smem:$0x3FB0]  }
0x2a: {  	p0 =	seq.s32 s5, $0x0;
	s5 =	sld [smem:$0x3FB1]  }
0x2b: {  	s6 =	sld [smem:$0x3FB2]  }
0x2c: {  	s7 =	sld [smem:$0x3FB3]  }
0x2d: {  	s3 =	simm.s32 $0x108;
	s8 =	sld [smem:$0x3FB4]  }
0x2e: {  	s3 =	simm.s32 @!p0 $0x1082;
	s9 =	sld [smem:$0x3FB5]  }
0x2f: {  	lr =	sadd.s32 s0, s3;
	s0 =	sld [smem:$0x3FAC]  }
0x30: {  	s3 =	sld [smem:$0x3FAF]  }
0x31: {  	[smem:$0x3FB8] =	sst s10  }
0x32: {  	s10 =	sld [smem:$0x3FB6];
	_ =	sdelay $0x3  }
0x33: {  	p0 =	seq.s32 s10, $0x1;
	s10 =	sld [smem:$0x3FB8];
	_ =	sdelay $0x3  }
0x34: {  	[smem:$0x3FB8] =	sst s10  }
0x35: {  	s10 =	sld [smem:$0x3FB7];
	_ =	sdelay $0x3  }
0x36: {  	p1 =	seq.s32 s10, $0x1;
	s10 =	sld [smem:$0x3FB8];
	_ =	sdelay $0x3  }
0x37: {  	[smem:$0x3FB8] =	sst s10  }
0x38: {  	s10 =	sld [smem:$0x3FB9]  }
0x39: {  	_ = 	snop;
	(pc) =	sbr.ind lr, $3  }
0x3a: {  	_ = 	snop  }
0x3b: {  	_ = 	snop  }
0x3c: {  	p2 =	seq.s32 s10, $0x1;
	s10 =	sld [smem:$0x3FB8]  }
0x3d: {  	_ =	shalt  }
0x3e: {  	_ =	shalt  }
0x3f: {  	_ =	shalt  }
0x40: {  	_ =	shalt  }
0x41: {  	_ =	shalt  }
0x42: {  	_ =	shalt  }
0x43: {  	_ =	shalt  }
0x44: {  	_ =	shalt  }
0x45: {  	_ =	shalt  }
0x46: {  	_ =	shalt  }
0x47: {  	_ =	shalt  }
0x48: {  	_ =	shalt  }
0x49: {  	_ =	shalt  }
0x4a: {  	_ =	shalt  }
0x4b: {  	_ =	shalt  }
0x4c: {  	_ =	shalt  }
0x4d: {  	_ =	shalt  }
0x4e: {  	_ =	shalt  }
0x4f: {  	_ =	shalt  }
0x50: {  	_ =	shalt  }
0x51: {  	_ =	shalt  }
0x52: {  	_ =	shalt  }
0x53: {  	_ =	shalt  }
0x54: {  	_ =	shalt  }
0x55: {  	_ =	shalt  }
0x56: {  	_ =	shalt  }
0x57: {  	_ =	shalt  }
0x58: {  	_ =	shalt  }
0x59: {  	_ =	shalt  }
0x5a: {  	_ =	shalt  }
0x5b: {  	_ =	shalt  }
0x5c: {  	_ =	shalt  }
0x5d: {  	_ =	shalt  }
0x5e: {  	_ =	shalt  }
0x5f: {  	_ =	shalt  }
0x60: {  	_ =	shalt  }
0x61: {  	_ =	shalt  }
0x62: {  	_ =	shalt  }
0x63: {  	_ =	shalt  }
0x64: {  	_ =	shalt  }
0x65: {  	_ =	shalt  }
0x66: {  	_ =	shalt  }
0x67: {  	_ =	shalt  }
0x68: {  	_ =	shalt  }
0x69: {  	_ =	shalt  }
0x6a: {  	_ =	shalt  }
0x6b: {  	_ =	shalt  }
0x6c: {  	_ =	shalt  }
0x6d: {  	_ =	shalt  }
0x6e: {  	_ =	shalt  }
0x6f: {  	_ =	shalt  }
0x70: {  	_ =	shalt  }
0x71: {  	_ =	shalt  }
0x72: {  	_ =	shalt  }
0x73: {  	_ =	shalt  }
0x74: {  	_ =	shalt  }
0x75: {  	_ =	shalt  }
0x76: {  	_ =	shalt  }
0x77: {  	_ =	shalt  }
0x78: {  	_ =	shalt  }
0x79: {  	_ =	shalt  }
0x7a: {  	_ =	shalt  }
0x7b: {  	_ =	shalt  }
0x7c: {  	_ =	shalt  }
0x7d: {  	_ =	shalt  }
0x7e: {  	_ =	shalt  }
0x7f: {  	_ =	shalt  }
0x80: {  	_ =	shalt  }
0x81: {  	_ =	shalt  }
0x82: {  	_ =	shalt  }
0x83: {  	_ =	shalt  }
0x84: {  	_ =	shalt  }
0x85: {  	_ =	shalt  }
0x86: {  	_ =	shalt  }
0x87: {  	_ =	shalt  }
.Lfunc_end0:
.L_simem_size_0:
called_computation_lowered:
.L_overlay_start_0:
0x88: {  	s2 =	sld [smem:$0x3FD9]  }
0x89: {  	s3 =	sld [smem:$0x3FFE];
	_ =	sdelay $0x1  }
0x8a: {  	s1 =	srdreg.scid  }
0x8b: {  	s0 =	sand.u32 $0x1, s1  }
0x8c: {  	s16 =	sshll.u32 s0, $0xA;
	s2 =	sadd.s32 s3, s2  }
0x8d: {  	s2 =	sadd.s32 s2, s16  }
0x8e: {  	[smem:$0x3FC4] =	sst s2  }
0x8f: {  	_ = 	snop  }
0x90: {  	(tm) =	ssettm $0x1  }
0x91: {  	s17 =	sld [smem:$0x3FFB];
	_ =	sdelay $0x3  }
0x92: {  	_ =	strace s17  }
0x93: {  	s2 =	sld [smem:$0x3FFC];
	_ =	sdelay $0x3  }
0x94: {  	_ =	strace s2  }
0x95: {  	s2 =	sld [smem:$0x3FFD];
	_ =	sdelay $0x3  }
0x96: {  	_ =	strace s2  }
0x97: {  	_ =	strace $0x8FFFFFFF  }
0x98: {  	s18 =	sld [smem:$0x3FDB];
	_ =	sdelay $0x1  }
0x99: {  	s19 =	simm.s32 $_scs_section_size  }
0x9a: {  	s4 =	simm.s32 $_size__tile_overlayer_lowered;
	s5 =	simm.s32 $_tile_overlayer_lowered  }
0x9b: {  	s22 =	simm.s32 $0x1BFF;
	s21 =	sshll.u32 s5, $0x1;
	s2 =	sadd.s32 s19, s18  }
0x9c: {  	s6 =	simm.s32 $0x0;
	s20 =	sshll.u32 s4, $0x1;
	s4 =	sadd.s32 s21, s2  }
0x9d: {  	[timem:s6], [sflag:s22] =	dma.local [hbm:s4], s20  }
0x9e: {  	_ =	swait.ge [sflag:s22], s20  }
0x9f: {  	s3 =	ssub.s32 $0x0, s20;
	[sflag:s22] =	ssyncset.done $0x0  }
0xa0: {  	[sflag:s22] =	ssyncadd.s32 s3;
	_ =	sdelay $0x1  }
0xa1: {  	s23 =	simm.s32 $0x1B8B  }
0xa2: {  	_ =	swait.ge [sflag:s23], $0x1  }
0xa3: {  	[sflag:s23] =	ssyncset.done $0x0  }
0xa4: {  	s25 =	simm.s32 $0x1B8E;
	s24 =	sld [smem:$0x3FFE];
	[sflag:s23] =	ssyncadd.s32 $0xFFFFFFFF  }
0xa5: {  	s26 =	simm.s32 $execute0_lowered;
	[smem:$0x3FD2] =	sst s25  }
0xa6: {  	s4 =	sshll.u32 s26, $0x1;
	_ =	strace $0x80000046;
	[dreg:$0x1] =	wrdreg $0xFFFFFFFF  }
0xa7: {  	s28 =	simm.s32 $_size_execute0_lowered;
	s2 =	sadd.s32 s2, s4;
	[dreg:$0x0] =	wrdreg $0x0  }
0xa8: {  	s4 =	sshll.u32 s28, $0x1;
	[dreg:$0x2] =	wrdreg s2  }
0xa9: {  	[dreg:$0x3] =	wrdreg s4  }
0xaa: {  	[dreg:$0x4] =	wrdreg $0xC0  }
0xab: {  	_ =	task [dreg:s6], $0x5FFFF  }
0xac: {  	[dreg:$0x1] =	wrdreg $0xFFFFFFFF  }
0xad: {  	[dreg:$0x0] =	wrdreg $0x60  }
0xae: {  	[dreg:$0x2] =	wrdreg s24  }
0xaf: {  	[dreg:$0x3] =	wrdreg $0x9  }
0xb0: {  	_ =	task.clear_ibuf [dreg:s6], $0x4FFFF;
	_ =	strace $0x90000046  }
0xb1: {  	s29 =	simm.s32 $0x9;
	_ =	strace $0x80000048  }
0xb2: {  	_ =	swait.ge [sflag:s29], $0x1  }
0xb3: {  	[sflag:s29] =	ssyncadd.s32 $0xFFFFFFFF  }
0xb4: {  	_ =	strace $0x90000048  }
0xb5: {  	_ =	sfence  }
0xb6: {  	s30 =	sld [smem:$0x0];
	_ =	sdelay $0x2  }
0xb7: {  	s31 =	sshll.u32 s1, $0xD;
	s1 =	sshrl.u32 s1, $0x2  }
0xb8: {  	s3 =	sand.u32 $0x4000, s31;
	s1 =	sadd.s32 s1, s30  }
0xb9: {  	s0 =	sor.u32 s3, s0;
	s1 =	sshll.u32 s1, $0x11  }
0xba: {  	s0 =	sor.u32 s1, s0  }
0xbb: {  	s0 =	sadd.s32 $0x8F2B, s0  }
0xbc: {  	[sflag:s0] =	ssyncadd.remote.s32 $0x1  }
0xbd: {  	_ =	sfence.sel $0xFFFF  }
0xbe: {  	[dreg:$0x0] =	wrdreg $0xFFFFFFFF;
	(pc) =	sbr.abs _section_cstart, $3  }
0xbf: {  	[dreg:$0x1] =	wrdreg $0xFFFFFFFF  }
0xc0: {  	_ =	task.clear_ibuf [dreg:s6], $0x2FFFF;
	_ =	strace $0x9FFFFFFF  }
0xc1: {  	(tm) =	ssettm $0x7FFFFFFF  }
tec
execute0_lowered:
.L_overlay_start_1:
0x0: {  	(tag) =	ssettag $0x1  }
0x1: {  	s0 =	srdreg.scid  }
0x2: {  	s3 =	sand.u32 $0x1, s0  }
0x3: {  	s4 =	rddreg [dreg:$0x0];
	s0 =	stileid.u32;
	s1 =	sshll.u32 s3, $0x4  }
0x4: {  	s2 =	simm.s32 $0x0;
	s8 =	simm.s32 $0x2800;
	s1 =	sor.u32 s0, s1  }
0x5: {  	s9 =	simm.s32 $0x1;
	s10 =	simm.s32 $0x0;
	s5 =	sshrl.u32 s1, $0x3  }
0x6: {  	[smem:$0x7FF] =	sst s2;
	s7 =	sshll.u32 s0, $0x7;
	s6 =	smul.u32 $0xA000, s5  }
0x7: {  	s3 =	ssub.s32 $0x2, s3;
	s7 =	sand.u32 $0x380, s7;
	s5 =	smul.u32 $0x14000, s5  }
0x8: {  	s31 =	sshrl.u32 s3, $0x1;
	s1 =	rddreg [dreg:$0x1];
	s6 =	sor.u32 s7, s6  }
0x9: {  	_ =	strace $0x80000047;
	s5 =	sor.u32 s7, s5;
	s6 =	sshrl.u32 s6, $0x3  }
0xa: {  	s7 =	simm.s32 $0x400;
	s5 =	sshrl.u32 s5, $0x3;
	s6 =	sadd.s32 s6, s4  }
0xb: {  	s4 =	sadd.s32 s5, s4;
	s5 =	ssub.s32 s3, s31;
	s3 =	sadd.s32 $0xE00, s6  }
0xc: {  	v0 =	vimm.f32 $0.0e+00;
	v1 =	vimm.f32 $1.000000000e+00;
	s4 =	sadd.s32 $0x5E00, s4;
	s5 =	smax.u32 s5, $0x1;
	s6 =	simm.s32 $0x80  }
.LBB2_1:
0xd: {  	s11 =	simm.s32 $0x40;
	s12 =	simm.s32 $0x0  }
.LBB2_2:
0xe: {  	p0 =	sne.s32 s11, $0x9FC0;
	[tilespmem:s12+$0x0] =	vst v0;
	s12 =	smov.u32 s11;
	s11 =	sadd.s32 $0x40, s11  }
.Ltmp0:
0xf: {  	(pc) =	sbr.rel @p0 .LBB2_2-.Ltmp0, $2  }
0x10: {  	_ =	sdelay $0x2  }
0x11: {  	s12 =	sshra.s32 s12, $0x2  }
0x12: {  	[tilespmem:s12+$0x0] =	vst v0  }
0x13: {  	[tilespmem:s8], [sflag:$0x1] =	stream.strided.gather [hbm4b:s3+s6], $0x1400, s7, s6, $0x38;
	[tilespmem:$0x3C00] =	vst v63  }
0x14: {  	_ =	swait.ge [sflag:s9], $0x1400  }
0x15: {  	[sflag:s9] =	ssyncset.done $0x0  }
0x16: {  	s12 =	simm.s32 $0x0;
	s11 =	simm.s32 $0x40;
	[sflag:s9] =	ssyncadd.s32 $0xFFFFEC00  }
.LBB2_4:
0x17: {  	p0 =	sne.s32 s11, $0x4E00;
	v2 =	vld [tilespmem:s12+$0x2800];
	_ =	sdelay $0x3  }
.Ltmp1:
0x18: {  	(pc) =	sbr.rel @p0 .LBB2_4-.Ltmp1, $2  }
0x19: {  	_ =	sdelay $0x2  }
0x1a: {  	s12 =	sshra.s32 s11, $0x2;
	s11 =	sadd.s32 $0x40, s11;
	[tilespmem:v2+s2+$0x0] =	vst.idx.add.f32.msk $0xffff, v1  }
0x1b: {  	v2 =	vld [tilespmem:s12+$0x2800];
	_ =	sdelay $0x5  }
0x1c: {  	s10 =	sadd.s32 $0x1, s10  }
0x1d: {  	p0 =	sne.s32 s10, s5  }
.Ltmp2:
0x1e: {  	[tilespmem:v2+s2+$0x0] =	vst.idx.add.f32.msk $0xffff, v1;
	(pc) =	sbr.rel @p0 .LBB2_1-.Ltmp2, $4  }
0x1f: {  	[hbm4b:s4+s6] =	stream.strided.scatter [tilespmem:s2], [sflag:$0x1], $0x2800, s7, s6, $0x38;
	[tilespmem:$0x3C00] =	vst v63  }
0x20: {  	_ =	swait.ge [sflag:s9], $0x2800  }
0x21: {  	[sflag:s9] =	ssyncset.done $0x0  }
0x22: {  	[sflag:s9] =	ssyncadd.s32 $0xFFFFD800  }
0x23: {  	_ =	sfence.sel $0x180000  }
0x24: {  	[bflag:$0x0] =	sbarrier.arrive $0xFFFF  }
0x25: {  	p0 =	sne.s32 s0, $0x0;
	_ =	strace $0x90000047  }
0x26: {  	s0 =	sadd.s32 @!p0 $0x100000, s1;
	[bflag:$0x2] =	sbarrier.arrive $0xFFFF  }
0x27: {  	[sflag:s0] =	ssyncadd.tile.s32 @!p0 $0x1;
	_ =	shalt  }
.Lfunc_end2:
_tile_overlayer_lowered:
.L_overlay_start_2:
0x28: {  	(tag) =	ssettag $0x2  }
0x29: {  	s0 =	rddreg [dreg:$0x0];
	s2 =	stileid.u32  }
0x2a: {  	s1 =	rddreg [dreg:$0x1];
	p0 =	sne.s32 s2, $0x0  }
0x2b: {  	s3 =	rddreg [dreg:$0x2];
	[bflag:$0x3] =	sbarrier.arrive $0xFFFF;
	s2 =	simm.s32 @!p0 $0x1C01  }
0x2c: {  	[timem:s3], [sflag:s2] =	dma.local @!p0 [hbm:s0], s1  }
0x2d: {  	s0 =	simm.s32 @!p0 $0x1  }
0x2e: {  	_ =	swait.ge @!p0 [sflag:s0], s1  }
0x2f: {  	s1 =	ssub.s32 @!p0 $0x0, s1;
	[sflag:s0] =	ssyncset.done @!p0 $0x0  }
0x30: {  	[sflag:s0] =	ssyncadd.s32 @!p0 s1  }
0x31: {  	[bflag:$0x3] =	sbarrier.arrive $0xFFFF  }
0x32: {  	_ =	shalt  }

// kernel: kernel.9.cloned.1.call-start
scs
__scs_entry_jumppad:
0x0: {  	(pc) =	sbr.rel $0x88, $3  }
0x1: {  	(tag) =	ssettag $0x0;
	lr =	simm.s32 $0x1  }
0x2: {  	[smem:$0x3F9D] =	sst lr;
	_ =	strace $0xD0000000  }
0x3: {  	_ = 	snop  }
0x4: {  	_ = 	snop  }
0x5: {  	_ = 	snop  }
0x6: {  	_ = 	snop  }
0x7: {  	_ = 	snop  }
__scs_overlays_trampoline_lowered:
0x8: {  	[smem:$0x3FAC] =	sst s0  }
0x9: {  	[smem:$0x3FAD] =	sst s1  }
0xa: {  	[smem:$0x3FAE] =	sst s2  }
0xb: {  	[smem:$0x3FAF] =	sst s3  }
0xc: {  	[smem:$0x3FB0] =	sst s4  }
0xd: {  	[smem:$0x3FB1] =	sst s5  }
0xe: {  	[smem:$0x3FB2] =	sst s6  }
0xf: {  	[smem:$0x3FB3] =	sst s7  }
0x10: {  	[smem:$0x3FB4] =	sst s8  }
0x11: {  	[smem:$0x3FB5] =	sst s9;
	s0 =	simm.s32 @!p0 $0x0  }
0x12: {  	s1 =	sld [smem:$0x3F9B];
	s0 =	simm.s32 @p0 $0x1  }
0x13: {  	[smem:$0x3FB6] =	sst s0;
	s0 =	simm.s32 @!p1 $0x0  }
0x14: {  	s2 =	sld [smem:$0x3F9A];
	s0 =	simm.s32 @p1 $0x1  }
0x15: {  	[smem:$0x3FB7] =	sst s0;
	s0 =	simm.s32 @!p2 $0x0  }
0x16: {  	s3 =	sld [smem:$0x3FDB];
	s0 =	simm.s32 @p2 $0x1  }
0x17: {  	s4 =	simm.s32 $0x1BF5;
	[smem:$0x3FB9] =	sst s0  }
0x18: {  	s0 =	sld [smem:$0x3F9C];
	_ =	swait.ge [sflag:s4], $0x0  }
0x19: {  	s7 =	sld [smem:$0x3F9D]  }
0x1a: {  	s8 =	sadd.s32 $0xFFFFE003, lr  }
0x1b: {  	s9 =	sadd.s32 $0xFFFFFEF7, lr;
	s5 =	simm.s32 $0xFFFFFFFF;
	p2 =	slt.u32 s8, $0xFFFFF086  }
0x1c: {  	p1 =	slt.u32 s9, $0xF7A;
	s5 =	simm.s32 @!p2 $0x0  }
0x1d: {  	s5 =	simm.s32 @p1 $0x1;
	p0 =	seq.s32 s7, s2  }
0x1e: {  	s7 =	smul.u32 @!p0 $0xF7A, s2;
	p2 =	seq.s32 @!p0 s5, $0x0  }
0x1f: {  	s9 =	smul.u32 $0xF7A, s1;
	s8 =	simm.s32 @!p0 $0x1BF5;
	p2 =	por !p2, p0  }
0x20: {  	[sflag:s8] =	ssyncset.s32 @!p0 $0xFFFFF086;
	s6 =	sadd.s32 @!p0 s3, s7;
	s7 =	simm.s32 @!p0 $0x108  }
0x21: {  	s3 =	sadd.s32 s3, s9;
	s6 =	sadd.s32 @!p0 $0x88, s6;
	s7 =	simm.s32 @p2 $0x1082  }
0x22: {  	[simem:s7], [sflag:s8] =	dma.local @!p0 [hbm:s6], $0xF7A  }
0x23: {  	s9 =	sor.u32 $0xD0000000, s2;
	s6 =	simm.s32 $0x108;
	_ =	swait.ge @!p0 [sflag:s8], $0x0  }
0x24: {  	s3 =	sadd.s32 $0x88, s3;
	s6 =	simm.s32 @!p1 $0x1082;
	[sflag:s4] =	ssyncset.s32 $0xFFFFF086  }
0x25: {  	[simem:s6], [sflag:s4] =	dma.local [hbm:s3], $0xF7A  }
0x26: {  	[smem:$0x3F9D] =	sst s1;
	(tag) =	ssettag s2;
	_ =	strace s9  }
0x27: {  	s1 =	sld [smem:$0x3FAD]  }
0x28: {  	s2 =	sld [smem:$0x3FAE]  }
0x29: {  	s4 =	sld [smem:$0x3FB0]  }
0x2a: {  	p0 =	seq.s32 s5, $0x0;
	s5 =	sld [smem:$0x3FB1]  }
0x2b: {  	s6 =	sld [smem:$0x3FB2]  }
0x2c: {  	s7 =	sld [smem:$0x3FB3]  }
0x2d: {  	s3 =	simm.s32 $0x108;
	s8 =	sld [smem:$0x3FB4]  }
0x2e: {  	s3 =	simm.s32 @!p0 $0x1082;
	s9 =	sld [smem:$0x3FB5]  }
0x2f: {  	lr =	sadd.s32 s0, s3;
	s0 =	sld [smem:$0x3FAC]  }
0x30: {  	s3 =	sld [smem:$0x3FAF]  }
0x31: {  	[smem:$0x3FB8] =	sst s10  }
0x32: {  	s10 =	sld [smem:$0x3FB6];
	_ =	sdelay $0x3  }
0x33: {  	p0 =	seq.s32 s10, $0x1;
	s10 =	sld [smem:$0x3FB8];
	_ =	sdelay $0x3  }
0x34: {  	[smem:$0x3FB8] =	sst s10  }
0x35: {  	s10 =	sld [smem:$0x3FB7];
	_ =	sdelay $0x3  }
0x36: {  	p1 =	seq.s32 s10, $0x1;
	s10 =	sld [smem:$0x3FB8];
	_ =	sdelay $0x3  }
0x37: {  	[smem:$0x3FB8] =	sst s10  }
0x38: {  	s10 =	sld [smem:$0x3FB9]  }
0x39: {  	_ = 	snop;
	(pc) =	sbr.ind lr, $3  }
0x3a: {  	_ = 	snop  }
0x3b: {  	_ = 	snop  }
0x3c: {  	p2 =	seq.s32 s10, $0x1;
	s10 =	sld [smem:$0x3FB8]  }
0x3d: {  	_ =	shalt  }
0x3e: {  	_ =	shalt  }
0x3f: {  	_ =	shalt  }
0x40: {  	_ =	shalt  }
0x41: {  	_ =	shalt  }
0x42: {  	_ =	shalt  }
0x43: {  	_ =	shalt  }
0x44: {  	_ =	shalt  }
0x45: {  	_ =	shalt  }
0x46: {  	_ =	shalt  }
0x47: {  	_ =	shalt  }
0x48: {  	_ =	shalt  }
0x49: {  	_ =	shalt  }
0x4a: {  	_ =	shalt  }
0x4b: {  	_ =	shalt  }
0x4c: {  	_ =	shalt  }
0x4d: {  	_ =	shalt  }
0x4e: {  	_ =	shalt  }
0x4f: {  	_ =	shalt  }
0x50: {  	_ =	shalt  }
0x51: {  	_ =	shalt  }
0x52: {  	_ =	shalt  }
0x53: {  	_ =	shalt  }
0x54: {  	_ =	shalt  }
0x55: {  	_ =	shalt  }
0x56: {  	_ =	shalt  }
0x57: {  	_ =	shalt  }
0x58: {  	_ =	shalt  }
0x59: {  	_ =	shalt  }
0x5a: {  	_ =	shalt  }
0x5b: {  	_ =	shalt  }
0x5c: {  	_ =	shalt  }
0x5d: {  	_ =	shalt  }
0x5e: {  	_ =	shalt  }
0x5f: {  	_ =	shalt  }
0x60: {  	_ =	shalt  }
0x61: {  	_ =	shalt  }
0x62: {  	_ =	shalt  }
0x63: {  	_ =	shalt  }
0x64: {  	_ =	shalt  }
0x65: {  	_ =	shalt  }
0x66: {  	_ =	shalt  }
0x67: {  	_ =	shalt  }
0x68: {  	_ =	shalt  }
0x69: {  	_ =	shalt  }
0x6a: {  	_ =	shalt  }
0x6b: {  	_ =	shalt  }
0x6c: {  	_ =	shalt  }
0x6d: {  	_ =	shalt  }
0x6e: {  	_ =	shalt  }
0x6f: {  	_ =	shalt  }
0x70: {  	_ =	shalt  }
0x71: {  	_ =	shalt  }
0x72: {  	_ =	shalt  }
0x73: {  	_ =	shalt  }
0x74: {  	_ =	shalt  }
0x75: {  	_ =	shalt  }
0x76: {  	_ =	shalt  }
0x77: {  	_ =	shalt  }
0x78: {  	_ =	shalt  }
0x79: {  	_ =	shalt  }
0x7a: {  	_ =	shalt  }
0x7b: {  	_ =	shalt  }
0x7c: {  	_ =	shalt  }
0x7d: {  	_ =	shalt  }
0x7e: {  	_ =	shalt  }
0x7f: {  	_ =	shalt  }
0x80: {  	_ =	shalt  }
0x81: {  	_ =	shalt  }
0x82: {  	_ =	shalt  }
0x83: {  	_ =	shalt  }
0x84: {  	_ =	shalt  }
0x85: {  	_ =	shalt  }
0x86: {  	_ =	shalt  }
0x87: {  	_ =	shalt  }
.Lfunc_end0:
.L_simem_size_0:
called_computation.1_lowered:
.L_overlay_start_0:
0x88: {  	s2 =	sld [smem:$0x3FD9]  }
0x89: {  	s3 =	sld [smem:$0x3FFE];
	_ =	sdelay $0x1  }
0x8a: {  	s1 =	srdreg.scid  }
0x8b: {  	s0 =	sand.u32 $0x1, s1  }
0x8c: {  	s17 =	sshll.u32 s0, $0xA;
	s2 =	sadd.s32 s3, s2  }
0x8d: {  	s2 =	sadd.s32 s2, s17  }
0x8e: {  	[smem:$0x3FC4] =	sst s2  }
0x8f: {  	_ = 	snop  }
0x90: {  	s2 =	sld [smem:$0x3FD0];
	(tm) =	ssettm $0x1  }
0x91: {  	s18 =	sld [smem:$0x3FFB];
	_ =	sdelay $0x3  }
0x92: {  	_ =	strace s18  }
0x93: {  	s3 =	sld [smem:$0x3FFC];
	_ =	sdelay $0x3  }
0x94: {  	_ =	strace s3  }
0x95: {  	s3 =	sld [smem:$0x3FFD];
	_ =	sdelay $0x3  }
0x96: {  	_ =	strace s3  }
0x97: {  	_ =	strace $0x8FFFFFFF  }
0x98: {  	s19 =	sld [smem:$0x3FDB];
	_ =	sdelay $0x1  }
0x99: {  	s4 =	simm.s32 $_scs_section_size  }
0x9a: {  	s5 =	simm.s32 $_size__tile_overlayer_lowered;
	s6 =	simm.s32 $_tile_overlayer_lowered  }
0x9b: {  	s22 =	simm.s32 $0x1BFF;
	s21 =	sshll.u32 s6, $0x1;
	s3 =	sadd.s32 s4, s19  }
0x9c: {  	s7 =	simm.s32 $0x0;
	s20 =	sshll.u32 s5, $0x1;
	s5 =	sadd.s32 s21, s3  }
0x9d: {  	[timem:s7], [sflag:s22] =	dma.local [hbm:s5], s20  }
0x9e: {  	_ =	swait.ge [sflag:s22], s20  }
0x9f: {  	s4 =	ssub.s32 $0x0, s20;
	[sflag:s22] =	ssyncset.done $0x0  }
0xa0: {  	[sflag:s22] =	ssyncadd.s32 s4;
	_ =	sdelay $0x1  }
0xa1: {  	s23 =	simm.s32 $0x1B8B  }
0xa2: {  	_ =	swait.ge [sflag:s23], $0x1  }
0xa3: {  	[sflag:s23] =	ssyncset.done $0x0  }
0xa4: {  	s25 =	simm.s32 $0x1B8E;
	s24 =	sld [smem:$0x3FFE];
	[sflag:s23] =	ssyncadd.s32 $0xFFFFFFFF  }
0xa5: {  	s26 =	simm.s32 $execute0_lowered;
	[smem:$0x3FD2] =	sst s25  }
0xa6: {  	s5 =	sshll.u32 s26, $0x1;
	_ =	strace $0x80000049;
	[dreg:$0x1] =	wrdreg $0xFFFFFFFF  }
0xa7: {  	s28 =	simm.s32 $_size_execute0_lowered;
	s3 =	sadd.s32 s3, s5;
	[dreg:$0x0] =	wrdreg $0x0  }
0xa8: {  	s5 =	sshll.u32 s28, $0x1;
	[dreg:$0x2] =	wrdreg s3  }
0xa9: {  	[dreg:$0x3] =	wrdreg s5  }
0xaa: {  	[dreg:$0x4] =	wrdreg $0xC0  }
0xab: {  	_ =	task [dreg:s7], $0x5FFFF  }
0xac: {  	[dreg:$0x1] =	wrdreg $0xFFFFFFFF  }
0xad: {  	[dreg:$0x0] =	wrdreg $0x60  }
0xae: {  	[dreg:$0x2] =	wrdreg s24  }
0xaf: {  	[dreg:$0x3] =	wrdreg s2  }
0xb0: {  	[dreg:$0x4] =	wrdreg $0x0  }
0xb1: {  	[dreg:$0x5] =	wrdreg $0x9  }
0xb2: {  	_ =	task.clear_ibuf [dreg:s7], $0x6FFFF;
	_ =	strace $0x90000049  }
0xb3: {  	s29 =	simm.s32 $0x9;
	_ =	strace $0x8000004B  }
0xb4: {  	_ =	swait.ge [sflag:s29], $0x1  }
0xb5: {  	[sflag:s29] =	ssyncadd.s32 $0xFFFFFFFF  }
0xb6: {  	_ =	strace $0x9000004B  }
0xb7: {  	_ =	sfence  }
0xb8: {  	s30 =	sld [smem:$0x0];
	_ =	sdelay $0x2  }
0xb9: {  	s31 =	sshll.u32 s1, $0xD;
	s1 =	sshrl.u32 s1, $0x2  }
0xba: {  	s3 =	sand.u32 $0x4000, s31;
	s1 =	sadd.s32 s1, s30  }
0xbb: {  	s0 =	sor.u32 s3, s0;
	s1 =	sshll.u32 s1, $0x11  }
0xbc: {  	s0 =	sor.u32 s1, s0  }
0xbd: {  	s0 =	sadd.s32 $0x8F2B, s0  }
0xbe: {  	[sflag:s0] =	ssyncadd.remote.s32 $0x1  }
0xbf: {  	_ =	sfence.sel $0xFFFF  }
0xc0: {  	[dreg:$0x0] =	wrdreg $0xFFFFFFFF;
	(pc) =	sbr.abs _section_cstart, $3  }
0xc1: {  	[dreg:$0x1] =	wrdreg $0xFFFFFFFF  }
0xc2: {  	_ =	task.clear_ibuf [dreg:s7], $0x2FFFF;
	_ =	strace $0x9FFFFFFF  }
0xc3: {  	(tm) =	ssettm $0x7FFFFFFF  }
tec
execute0_lowered:
.L_overlay_start_1:
0x0: {  	(tag) =	ssettag $0x1  }
0x1: {  	s5 =	rddreg [dreg:$0x0]  }
0x2: {  	s7 =	rddreg [dreg:$0x1]  }
0x3: {  	s1 =	rddreg [dreg:$0x2]  }
0x4: {  	s2 =	srdreg.scid;
	s0 =	rddreg [dreg:$0x3]  }
0x5: {  	s3 =	simm.s32 $0x0;
	s15 =	simm.s32 $0x80;
	s16 =	simm.s32 $0x19000  }
0x6: {  	s17 =	simm.s32 $0x1;
	s6 =	sand.u32 $0x1, s2;
	s2 =	stileid.u32  }
0x7: {  	s18 =	simm.s32 $0x0;
	[smem:$0x7FF] =	sst s3;
	s8 =	smul.u32 $0x2800, s6  }
0x8: {  	s4 =	sshll.u32 s6, $0x4;
	s9 =	smul.u32 $0x280, s2;
	_ =	strace $0x8000004A  }
0x9: {  	s6 =	ssub.s32 $0x2, s6;
	s28 =	smul.u32 $0x50000, s2;
	s31 =	sshll.u32 s2, $0x6  }
0xa: {  	s10 =	sor.u32 s2, s4;
	s4 =	sadd.s32 $0x19E00, s5;
	s29 =	sshrl.u32 s6, $0x1  }
0xb: {  	s10 =	smul.u32 $0x500, s10;
	s8 =	sadd.s32 s9, s8;
	s13 =	ssub.s32 s6, s29  }
0xc: {  	s30 =	sshrl.u32 s28, $0x2;
	s6 =	sor.u32 $0x1C02, s31;
	s8 =	sshll.u32 s8, $0x4  }
0xd: {  	s14 =	sadd.s32 s30, s1;
	s11 =	sadd.s32 s10, s5;
	s12 =	sadd.s32 s8, s5  }
0xe: {  	s5 =	sadd.s32 s4, s8;
	s7 =	sadd.s32 s7, s10;
	s10 =	smax.u32 s13, $0x1  }
0xf: {  	s13 =	simm.s32 $0x14000;
	s8 =	sadd.s32 $0xFE00, s11;
	s9 =	sadd.s32 $0x69E00, s12  }
0x10: {  	s11 =	sshrl.u32 s14, $0x3;
	s12 =	simm.s32 $0x2;
	s14 =	simm.s32 $0x16800  }
.LBB2_1:
0x11: {  	[spmem:s11], [sflag:s6] =	dma.local [hbm:s5], $0x2800  }
0x12: {  	_ =	swait.ge [sflag:s12], $0x2800  }
0x13: {  	[sflag:s12] =	ssyncset.done $0x0  }
0x14: {  	[sflag:s12] =	ssyncadd.s32 $0xFFFFD800  }
0x15: {  	[tilespmem:s13], [sflag:$0x2] =	stream.linear.gather [hbm4b:s7+s3], $0x2800, $0x38;
	[tilespmem:$0x1D000] =	vst v63  }
0x16: {  	_ =	swait.ge [sflag:s12], $0x2800  }
0x17: {  	[sflag:s12] =	ssyncset.done $0x0  }
0x18: {  	[sflag:s12] =	ssyncadd.s32 $0xFFFFD800  }
0x19: {  	[tilespmem:s14], [sflag:$0x2] =	stream.linear.gather [hbm4b:s8+s3], $0x2800, $0x38;
	[tilespmem:$0x1D000] =	vst v63  }
0x1a: {  	_ =	swait.ge [sflag:s12], $0x2800  }
0x1b: {  	[sflag:s12] =	ssyncset.done $0x0  }
0x1c: {  	[sflag:s12] =	ssyncadd.s32 $0xFFFFD800  }
0x1d: {  	s19 =	simm.s32 $0x14000;
	[bflag:$0x0] =	sbarrier.arrive $0xFFFF  }
0x1e: {  	[tilespmem:s16], [sflag:$0x1] =	stream.indirect.gather [hbm4b:s4+s15], $0x80, s19, s15, $0xb8;
	[tilespmem:$0x1D000] =	vst v63  }
0x1f: {  	_ =	swait.ge [sflag:s17], $0x4000  }
0x20: {  	[sflag:s17] =	ssyncset.done $0x0  }
0x21: {  	s31 =	simm.s32 $0x16800;
	[sflag:s17] =	ssyncadd.s32 $0xFFFFC000  }
0x22: {  	[spmem:s1] =	stream.indirect.scatter.add.f32 [tilespmem:s16], [sflag:$0x2], $0x80, s31, s15, $0xb8;
	[tilespmem:$0x1D000] =	vst v63  }
0x23: {  	_ =	swait.ge [sflag:s12], $0x4000  }
0x24: {  	s20 =	simm.s32 $0x400;
	s19 =	simm.s32 $0x80;
	[sflag:s12] =	ssyncset.done $0x0  }
.LBB2_2:
0x25: {  	s21 =	sadd.s32 $0x14000, s19  }
0x26: {  	[sflag:s12] =	ssyncadd.s32 $0xFFFFC000;
	s22 =	smov.u32 s20;
	s23 =	sadd.s32 $0x200, s20  }
0x27: {  	[tilespmem:s16], [sflag:$0x1] =	stream.indirect.gather [hbm4b:s4+s15], $0x80, s21, s15, $0xb8;
	[tilespmem:$0x1D000] =	vst v63  }
0x28: {  	p0 =	sne.s32 s20, $0x9E00;
	_ =	swait.ge [sflag:s17], $0x4000  }
.Ltmp0:
0x29: {  	[sflag:s17] =	ssyncset.done $0x0;
	(pc) =	sbr.rel @p0 .LBB2_2-.Ltmp0, $4  }
0x2a: {  	s19 =	sadd.s32 $0x16800, s19;
	[sflag:s17] =	ssyncadd.s32 $0xFFFFC000  }
0x2b: {  	[spmem:s1] =	stream.indirect.scatter.add.f32 [tilespmem:s16], [sflag:$0x2], $0x80, s19, s15, $0xb8;
	[tilespmem:$0x1D000] =	vst v63  }
0x2c: {  	_ =	swait.ge [sflag:s12], $0x4000  }
0x2d: {  	s20 =	smov.u32 s23;
	s19 =	sshra.s32 s22, $0x2;
	[sflag:s12] =	ssyncset.done $0x0  }
0x2e: {  	s20 =	sadd.s32 $0x14000, s19;
	[sflag:s12] =	ssyncadd.s32 $0xFFFFC000  }
0x2f: {  	[tilespmem:s16], [sflag:$0x1] =	stream.indirect.gather [hbm4b:s4+s15], $0x80, s20, s15, $0xb8;
	[tilespmem:$0x1D000] =	vst v63  }
0x30: {  	_ =	swait.ge [sflag:s17], $0x4000  }
0x31: {  	[sflag:s17] =	ssyncset.done $0x0  }
0x32: {  	s31 =	sadd.s32 $0x16800, s19;
	[sflag:s17] =	ssyncadd.s32 $0xFFFFC000  }
0x33: {  	[spmem:s1] =	stream.indirect.scatter.add.f32 [tilespmem:s16], [sflag:$0x2], $0x80, s31, s15, $0xb8;
	[tilespmem:$0x1D000] =	vst v63  }
0x34: {  	_ =	swait.ge [sflag:s12], $0x4000  }
0x35: {  	s18 =	sadd.s32 $0x1, s18;
	[sflag:s12] =	ssyncset.done $0x0  }
0x36: {  	p0 =	sne.s32 s18, s10;
	[sflag:s12] =	ssyncadd.s32 $0xFFFFC000  }
.Ltmp1:
0x37: {  	[bflag:$0x0] =	sbarrier.arrive $0xFFFF;
	(pc) =	sbr.rel @p0 .LBB2_1-.Ltmp1, $4  }
0x38: {  	[hbm:s9], [sflag:s6] =	dma.local [spmem:s11], $0x2800  }
0x39: {  	_ =	swait.ge [sflag:s12], $0x2800  }
0x3a: {  	[sflag:s12] =	ssyncset.done $0x0  }
0x3b: {  	[sflag:s12] =	ssyncadd.s32 $0xFFFFD800  }
0x3c: {  	_ =	sfence.sel $0x180000  }
0x3d: {  	[bflag:$0x0] =	sbarrier.arrive $0xFFFF  }
0x3e: {  	p0 =	sne.s32 s2, $0x0;
	_ =	strace $0x9000004A  }
0x3f: {  	s0 =	sadd.s32 @!p0 $0x100000, s0;
	[bflag:$0x2] =	sbarrier.arrive $0xFFFF  }
0x40: {  	[sflag:s0] =	ssyncadd.tile.s32 @!p0 $0x1;
	_ =	shalt  }
.Lfunc_end2:
_tile_overlayer_lowered:
.L_overlay_start_2:
0x41: {  	(tag) =	ssettag $0x2  }
0x42: {  	s0 =	rddreg [dreg:$0x0];
	s2 =	stileid.u32  }
0x43: {  	s1 =	rddreg [dreg:$0x1];
	p0 =	sne.s32 s2, $0x0  }
0x44: {  	s3 =	rddreg [dreg:$0x2];
	[bflag:$0x3] =	sbarrier.arrive $0xFFFF;
	s2 =	simm.s32 @!p0 $0x1C02  }
0x45: {  	[timem:s3], [sflag:s2] =	dma.local @!p0 [hbm:s0], s1  }
0x46: {  	s0 =	simm.s32 @!p0 $0x2  }
0x47: {  	_ =	swait.ge @!p0 [sflag:s0], s1  }
0x48: {  	s1 =	ssub.s32 @!p0 $0x0, s1;
	[sflag:s0] =	ssyncset.done @!p0 $0x0  }
0x49: {  	[sflag:s0] =	ssyncadd.s32 @!p0 s1  }
0x4a: {  	[bflag:$0x3] =	sbarrier.arrive $0xFFFF  }
0x4b: {  	_ =	shalt  }

</sc_bundles>
